<compile_context>
chip_gen: v7x
topology: tpu7x:2x2x1
jax: 0.10.2.dev20260603
libtpu: 0.0.44.dev20260713+nightly
codegen_flags: <defaults>
</compile_context>

<pallas_src>
import functools

import jax
import jax.numpy as jnp
from jax import lax
from jax.experimental import pallas as pl
from jax.experimental.pallas import tpu as pltpu
from jax.experimental.pallas import tpu_sc as plsc

MASK_IDX = 32
ZERO_IDX = 33
D = 1024
LANES = 16
NUM_WORKERS = 32
WINDOW_GROUPS = 4
TABLE_ROWS = 34


@functools.lru_cache(maxsize=None)
def _build_sc_kernel(n_tokens: int):
    per_w = n_tokens // NUM_WORKERS
    n_grp = per_w // LANES
    mesh = plsc.VectorSubcoreMesh(core_axis_name="c", subcore_axis_name="s")

    @functools.partial(
        pl.kernel,
        mesh=mesh,
        out_type=jax.ShapeDtypeStruct((n_tokens, D), jnp.float32),
        compiler_params=pltpu.CompilerParams(needs_layout_passes=False),
        scratch_types=[
            pltpu.VMEM((per_w,), jnp.int32),
            pltpu.VMEM((per_w,), jnp.int32),
            pltpu.VMEM((per_w,), jnp.int32),
            pltpu.VMEM((per_w,), jnp.int32),
            pltpu.VMEM((TABLE_ROWS, D), jnp.float32),
            pltpu.SemaphoreType.DMA,
        ],
    )
    def sc_embed(table_hbm, tok_hbm, aa_hbm, pad_hbm, out_hbm,
                 tok_v, aa_v, pad_v, idx_v, table_v, sem):
        wid = lax.axis_index("s") * 2 + lax.axis_index("c")
        base = wid * per_w

        pltpu.sync_copy(table_hbm, table_v)
        pltpu.sync_copy(tok_hbm.at[pl.ds(base, per_w)], tok_v)
        pltpu.sync_copy(aa_hbm.at[pl.ds(base, per_w)], aa_v)
        pltpu.sync_copy(pad_hbm.at[pl.ds(base, per_w)], pad_v)

        def idx_body(i, carry):
            sl = pl.ds(pl.multiple_of(i * LANES, LANES), LANES)
            t = tok_v[sl]
            a = aa_v[sl]
            p = pad_v[sl]
            idx = jnp.where(a != 0, MASK_IDX, t)
            idx_v[sl] = jnp.where(p != 0, ZERO_IDX, idx)
            return carry

        lax.fori_loop(0, per_w // LANES, idx_body, 0)

        def drain_group():
            pltpu.make_async_copy(
                table_hbm.at[pl.ds(0, LANES)],
                out_hbm.at[pl.ds(base, LANES)], sem).wait()

        def grp_body(g, carry):
            sl16 = pl.ds(pl.multiple_of(g * LANES, LANES), LANES)
            idxg = idx_v[sl16]
            for l in range(LANES):
                pltpu.async_copy(
                    table_v.at[idxg[l]],
                    out_hbm.at[base + g * LANES + l], sem)

            @pl.when(g >= WINDOW_GROUPS)
            def _():
                drain_group()
            return carry

        lax.fori_loop(0, n_grp, grp_body, 0)
        for _ in range(WINDOW_GROUPS):
            drain_group()

    return sc_embed


def kernel(tokens, padding_mask, mask_aa, table):
    B, L = tokens.shape
    tok = tokens.reshape(-1).astype(jnp.int32)
    aa = mask_aa.reshape(-1).astype(jnp.int32)
    pad = padding_mask.reshape(-1).astype(jnp.int32)
    table_padded = jnp.concatenate(
        [table, jnp.zeros((1, table.shape[1]), table.dtype)], axis=0)
    out = _build_sc_kernel(B * L)(table_padded, tok, aa, pad)
    return out.reshape(B, L, D)

# --- scband reference (transcript-rebuilt; emitter-appended) ---
"""Pipeline reference for scband-pfmembedding-68865505624503 (READ-ONLY COPY).

The authoritative reference and input builder live on the scoring server;
editing this copy changes nothing except your own understanding.
"""

import jax, jax.numpy as jnp
import numpy as np

NUM_RESIDUES = 33
EMBED_DIM = 1024
B, L = 64, 1024
MASK_IDX = NUM_RESIDUES - 1  # reserved mask-token row


def setup_inputs(seed: int = 0) -> dict:
    key = jax.random.key(seed)
    k1, k2, k3, k4 = jax.random.split(key, 4)
    tokens = jax.random.randint(k1, (B, L), 0, 32)  # residue ids < 32, row 32 reserved for mask
    padding_mask = jax.random.randint(k2, (B, L), 0, 2).astype(jnp.bool_)
    mask_aa = jax.random.randint(k3, (B, L), 0, 2).astype(jnp.bool_)
    table = jax.random.normal(k4, (NUM_RESIDUES, EMBED_DIM), dtype=jnp.float32) * 0.02
    return {"tokens": tokens, "padding_mask": padding_mask, "mask_aa": mask_aa, "table": table}


def reference(tokens, padding_mask, mask_aa, table):
    # ResidueFeatureV0: residue-type embedding lookup (prop_feat=False, angle_feat=False
    # -> pure token embedding path).
    x = jnp.take(table, tokens, axis=0)  # [B, L, D] gather
    # masked-AA positions get the learned mask-token embedding
    mask_emb = table[MASK_IDX]
    x = jnp.where(mask_aa[..., None], mask_emb, x)
    # zero out padded positions
    x = x * (~padding_mask)[..., None].astype(x.dtype)
    # PFMEmbedding.forward returns (x, edge_feature=None, delta_pos=None); return x here.
    return x

if __name__ == "__main__":
    import jax
    _d = setup_inputs()
    print(jax.jit(kernel)(*tuple(_d.values())))

</pallas_src>

<mosaic_0001>
#map = affine_map<(d0, d1) -> (0, 0)>
#map1 = affine_map<(d0, d1) -> (0)>
module attributes {stable_mosaic.version = 14 : i64} {
  func.func @sc_embed(%arg0: i32, %arg1: i32, %arg2: memref<34x1024xf32, #tpu.memory_space<hbm>>, %arg3: memref<65536xi32, #tpu.memory_space<hbm>>, %arg4: memref<65536xi32, #tpu.memory_space<hbm>>, %arg5: memref<65536xi32, #tpu.memory_space<hbm>>, %arg6: memref<65536x1024xf32, #tpu.memory_space<hbm>>, %arg7: memref<2048xi32, #tpu.memory_space<vmem>>, %arg8: memref<2048xi32, #tpu.memory_space<vmem>>, %arg9: memref<2048xi32, #tpu.memory_space<vmem>>, %arg10: memref<2048xi32, #tpu.memory_space<vmem>>, %arg11: memref<34x1024xf32, #tpu.memory_space<vmem>>, %arg12: memref<!tpu.dma_semaphore, #tpu.memory_space<semaphore_mem>>) attributes {dimension_semantics = [#tpu.dimension_semantics<core_parallel>, #tpu.dimension_semantics<subcore_parallel>], iteration_bounds = array<i64: 2, 16>, scalar_prefetch = 0 : i64, scratch_operands = 6 : i64, tpu.core_type = #tpu.core_type<sc_vector_subcore>, window_params = [{transform_indices = #map}, {transform_indices = #map1}, {transform_indices = #map1}, {transform_indices = #map1}, {transform_indices = #map}]} {
    %mul3A = arith.constant 2 : i32
    %mul3A_0 = arith.muli %arg1, %mul3A : i32
    %add3A = arith.addi %mul3A_0, %arg0 : i32
    %mul3A_1 = arith.constant 2048 : i32
    %mul3A_2 = arith.muli %add3A, %mul3A_1 : i32
    "tpu.region"() ({
      %run_scoped3A = tpu.sem_alloc : memref<!tpu.dma_semaphore, #tpu.memory_space<semaphore_mem>>
      tpu.enqueue_dma source(%arg2 : memref<34x1024xf32, #tpu.memory_space<hbm>>) target(%arg11 : memref<34x1024xf32, #tpu.memory_space<vmem>>) target_semaphore(%run_scoped3A : memref<!tpu.dma_semaphore, #tpu.memory_space<semaphore_mem>>)
      tpu.wait_dma2 semaphore(%run_scoped3A : memref<!tpu.dma_semaphore, #tpu.memory_space<semaphore_mem>>) src(%arg2 : memref<34x1024xf32, #tpu.memory_space<hbm>>) dst(%arg11 : memref<34x1024xf32, #tpu.memory_space<vmem>>)
      tpu.yield
    }) : () -> ()
    "tpu.region"() ({
      %run_scoped3A = tpu.sem_alloc : memref<!tpu.dma_semaphore, #tpu.memory_space<semaphore_mem>>
      %dma_start3A = tpu.memref_slice %arg3[%mul3A_2] : memref<65536xi32, #tpu.memory_space<hbm>> -> memref<2048xi32, #tpu.memory_space<hbm>>
      %dma_start3A_33 = tpu.memref_slice %arg3[%mul3A_2] : memref<65536xi32, #tpu.memory_space<hbm>> -> memref<2048xi32, #tpu.memory_space<hbm>>
      tpu.enqueue_dma source(%dma_start3A_33 : memref<2048xi32, #tpu.memory_space<hbm>>) target(%arg7 : memref<2048xi32, #tpu.memory_space<vmem>>) target_semaphore(%run_scoped3A : memref<!tpu.dma_semaphore, #tpu.memory_space<semaphore_mem>>)
      %dma_wait3A_34 = tpu.memref_slice %arg3[%mul3A_2] : memref<65536xi32, #tpu.memory_space<hbm>> -> memref<2048xi32, #tpu.memory_space<hbm>>
      %dma_wait3A_35 = tpu.memref_slice %arg3[%mul3A_2] : memref<65536xi32, #tpu.memory_space<hbm>> -> memref<2048xi32, #tpu.memory_space<hbm>>
      tpu.wait_dma2 semaphore(%run_scoped3A : memref<!tpu.dma_semaphore, #tpu.memory_space<semaphore_mem>>) src(%dma_wait3A_35 : memref<2048xi32, #tpu.memory_space<hbm>>) dst(%arg7 : memref<2048xi32, #tpu.memory_space<vmem>>)
      tpu.yield
    }) : () -> ()
    "tpu.region"() ({
      %run_scoped3A = tpu.sem_alloc : memref<!tpu.dma_semaphore, #tpu.memory_space<semaphore_mem>>
      %dma_start3A = tpu.memref_slice %arg4[%mul3A_2] : memref<65536xi32, #tpu.memory_space<hbm>> -> memref<2048xi32, #tpu.memory_space<hbm>>
      %dma_start3A_33 = tpu.memref_slice %arg4[%mul3A_2] : memref<65536xi32, #tpu.memory_space<hbm>> -> memref<2048xi32, #tpu.memory_space<hbm>>
      tpu.enqueue_dma source(%dma_start3A_33 : memref<2048xi32, #tpu.memory_space<hbm>>) target(%arg8 : memref<2048xi32, #tpu.memory_space<vmem>>) target_semaphore(%run_scoped3A : memref<!tpu.dma_semaphore, #tpu.memory_space<semaphore_mem>>)
      %dma_wait3A_34 = tpu.memref_slice %arg4[%mul3A_2] : memref<65536xi32, #tpu.memory_space<hbm>> -> memref<2048xi32, #tpu.memory_space<hbm>>
      %dma_wait3A_35 = tpu.memref_slice %arg4[%mul3A_2] : memref<65536xi32, #tpu.memory_space<hbm>> -> memref<2048xi32, #tpu.memory_space<hbm>>
      tpu.wait_dma2 semaphore(%run_scoped3A : memref<!tpu.dma_semaphore, #tpu.memory_space<semaphore_mem>>) src(%dma_wait3A_35 : memref<2048xi32, #tpu.memory_space<hbm>>) dst(%arg8 : memref<2048xi32, #tpu.memory_space<vmem>>)
      tpu.yield
    }) : () -> ()
    "tpu.region"() ({
      %run_scoped3A = tpu.sem_alloc : memref<!tpu.dma_semaphore, #tpu.memory_space<semaphore_mem>>
      %dma_start3A = tpu.memref_slice %arg5[%mul3A_2] : memref<65536xi32, #tpu.memory_space<hbm>> -> memref<2048xi32, #tpu.memory_space<hbm>>
      %dma_start3A_33 = tpu.memref_slice %arg5[%mul3A_2] : memref<65536xi32, #tpu.memory_space<hbm>> -> memref<2048xi32, #tpu.memory_space<hbm>>
      tpu.enqueue_dma source(%dma_start3A_33 : memref<2048xi32, #tpu.memory_space<hbm>>) target(%arg9 : memref<2048xi32, #tpu.memory_space<vmem>>) target_semaphore(%run_scoped3A : memref<!tpu.dma_semaphore, #tpu.memory_space<semaphore_mem>>)
      %dma_wait3A_34 = tpu.memref_slice %arg5[%mul3A_2] : memref<65536xi32, #tpu.memory_space<hbm>> -> memref<2048xi32, #tpu.memory_space<hbm>>
      %dma_wait3A_35 = tpu.memref_slice %arg5[%mul3A_2] : memref<65536xi32, #tpu.memory_space<hbm>> -> memref<2048xi32, #tpu.memory_space<hbm>>
      tpu.wait_dma2 semaphore(%run_scoped3A : memref<!tpu.dma_semaphore, #tpu.memory_space<semaphore_mem>>) src(%dma_wait3A_35 : memref<2048xi32, #tpu.memory_space<hbm>>) dst(%arg9 : memref<2048xi32, #tpu.memory_space<vmem>>)
      tpu.yield
    }) : () -> ()
    %scan3A = arith.constant 0 : i32
    %scan3A_3 = arith.constant 0 : i32
    %scan3A_4 = arith.constant 128 : i32
    %scan3A_5 = arith.addi %scan3A_3, %scan3A_4 : i32
    %scan3A_6 = arith.constant 1 : i32
    scf.for %scan3A_33 = %scan3A_3 to %scan3A_5 step %scan3A_6  : i32 {
      %mul3A_34 = arith.constant 16 : i32
      %mul3A_35 = arith.muli %scan3A_33, %mul3A_34 : i32
      %multiple_of3A = tpu.assume_multiple %mul3A_35, 16 : i32
      %get3A = arith.index_cast %multiple_of3A : i32 to index
      %get3A_36 = tpu.vector_load %arg7[%get3A] {strides = array<i32>} : memref<2048xi32, #tpu.memory_space<vmem>>, vector<16xi32>,
      %get3A_37 = arith.index_cast %multiple_of3A : i32 to index
      %get3A_38 = tpu.vector_load %arg8[%get3A_37] {strides = array<i32>} : memref<2048xi32, #tpu.memory_space<vmem>>, vector<16xi32>,
      %get3A_39 = arith.index_cast %multiple_of3A : i32 to index
      %get3A_40 = tpu.vector_load %arg9[%get3A_39] {strides = array<i32>} : memref<2048xi32, #tpu.memory_space<vmem>>, vector<16xi32>,
      %ne3A = arith.constant 0 : i32
      %ne3A_41 = vector.broadcast %ne3A : i32 to vector<16xi32>
      %ne3A_42 = arith.cmpi ne, %get3A_38, %ne3A_41 : vector<16xi32>
      %jit3A = arith.constant 32 : i32
      %broadcast_in_dim3A = vector.broadcast %jit3A : i32 to vector<16xi32>
      %select_n3A = arith.select %ne3A_42, %broadcast_in_dim3A, %get3A_36 : vector<16xi1>, vector<16xi32>
      %ne3A_43 = arith.constant 0 : i32
      %ne3A_44 = vector.broadcast %ne3A_43 : i32 to vector<16xi32>
      %ne3A_45 = arith.cmpi ne, %get3A_40, %ne3A_44 : vector<16xi32>
      %jit3A_46 = arith.constant 33 : i32
      %broadcast_in_dim3A_47 = vector.broadcast %jit3A_46 : i32 to vector<16xi32>
      %select_n3A_48 = arith.select %ne3A_45, %broadcast_in_dim3A_47, %select_n3A : vector<16xi1>, vector<16xi32>
      %swap3A = arith.index_cast %multiple_of3A : i32 to index
      %swap3A_49 = tpu.vector_load %arg10[%swap3A] {strides = array<i32>} : memref<2048xi32, #tpu.memory_space<vmem>>, vector<16xi32>,
      tpu.vector_store %arg10[%swap3A], %select_n3A_48 {strides = array<i32>} : memref<2048xi32, #tpu.memory_space<vmem>>, vector<16xi32>,
    }
    %scan3A_7 = arith.constant 128 : i32
    %scan3A_8 = arith.constant 0 : i32
    %scan3A_9 = arith.constant 0 : i32
    %scan3A_10 = arith.constant 128 : i32
    %scan3A_11 = arith.addi %scan3A_9, %scan3A_10 : i32
    %scan3A_12 = arith.constant 1 : i32
    scf.for %scan3A_33 = %scan3A_9 to %scan3A_11 step %scan3A_12  : i32 {
      %mul3A_34 = arith.constant 16 : i32
      %mul3A_35 = arith.muli %scan3A_33, %mul3A_34 : i32
      %multiple_of3A = tpu.assume_multiple %mul3A_35, 16 : i32
      %get3A = arith.index_cast %multiple_of3A : i32 to index
      %get3A_36 = tpu.vector_load %arg10[%get3A] {strides = array<i32>} : memref<2048xi32, #tpu.memory_space<vmem>>, vector<16xi32>,
      %slice3A = vector.extract_strided_slice %get3A_36 {offsets = [0], sizes = [1], strides = [1]} : vector<16xi32> to vector<1xi32>
      %squeeze3A = vector.extract %slice3A[0] : i32 from vector<1xi32>
      %mul3A_37 = arith.constant 16 : i32
      %mul3A_38 = arith.muli %scan3A_33, %mul3A_37 : i32
      %add3A_39 = arith.addi %mul3A_2, %mul3A_38 : i32
      %add3A_40 = arith.constant 0 : i32
      %add3A_41 = arith.addi %add3A_39, %add3A_40 : i32
      %dma_start3A = arith.constant 0 : i32
      %dma_start3A_42 = tpu.memref_slice %arg11[%squeeze3A, %dma_start3A] : memref<34x1024xf32, #tpu.memory_space<vmem>> -> memref<1x1024xf32, #tpu.memory_space<vmem>>
      %dma_start3A_43 = tpu.memref_squeeze %dma_start3A_42 : memref<1x1024xf32, #tpu.memory_space<vmem>> -> memref<1024xf32, #tpu.memory_space<vmem>>
      %dma_start3A_44 = arith.constant 0 : i32
      %dma_start3A_45 = tpu.memref_slice %arg6[%add3A_41, %dma_start3A_44] : memref<65536x1024xf32, #tpu.memory_space<hbm>> -> memref<1x1024xf32, #tpu.memory_space<hbm>>
      %dma_start3A_46 = tpu.memref_squeeze %dma_start3A_45 : memref<1x1024xf32, #tpu.memory_space<hbm>> -> memref<1024xf32, #tpu.memory_space<hbm>>
      %dma_start3A_47 = arith.constant 0 : i32
      %dma_start3A_48 = tpu.memref_slice %arg6[%add3A_41, %dma_start3A_47] : memref<65536x1024xf32, #tpu.memory_space<hbm>> -> memref<1x1024xf32, #tpu.memory_space<hbm>>
      %dma_start3A_49 = tpu.memref_squeeze %dma_start3A_48 : memref<1x1024xf32, #tpu.memory_space<hbm>> -> memref<1024xf32, #tpu.memory_space<hbm>>
      %dma_start3A_50 = arith.constant 0 : i32
      %dma_start3A_51 = tpu.memref_slice %arg11[%squeeze3A, %dma_start3A_50] : memref<34x1024xf32, #tpu.memory_space<vmem>> -> memref<1x1024xf32, #tpu.memory_space<vmem>>
      %dma_start3A_52 = tpu.memref_squeeze %dma_start3A_51 : memref<1x1024xf32, #tpu.memory_space<vmem>> -> memref<1024xf32, #tpu.memory_space<vmem>>
      tpu.enqueue_dma source(%dma_start3A_52 : memref<1024xf32, #tpu.memory_space<vmem>>) target(%dma_start3A_49 : memref<1024xf32, #tpu.memory_space<hbm>>) target_semaphore(%arg12 : memref<!tpu.dma_semaphore, #tpu.memory_space<semaphore_mem>>)
      %slice3A_53 = vector.extract_strided_slice %get3A_36 {offsets = [1], sizes = [1], strides = [1]} : vector<16xi32> to vector<1xi32>
      %squeeze3A_54 = vector.extract %slice3A_53[0] : i32 from vector<1xi32>
      %mul3A_55 = arith.constant 16 : i32
      %mul3A_56 = arith.muli %scan3A_33, %mul3A_55 : i32
      %add3A_57 = arith.addi %mul3A_2, %mul3A_56 : i32
      %add3A_58 = arith.constant 1 : i32
      %add3A_59 = arith.addi %add3A_57, %add3A_58 : i32
      %dma_start3A_60 = arith.constant 0 : i32
      %dma_start3A_61 = tpu.memref_slice %arg11[%squeeze3A_54, %dma_start3A_60] : memref<34x1024xf32, #tpu.memory_space<vmem>> -> memref<1x1024xf32, #tpu.memory_space<vmem>>
      %dma_start3A_62 = tpu.memref_squeeze %dma_start3A_61 : memref<1x1024xf32, #tpu.memory_space<vmem>> -> memref<1024xf32, #tpu.memory_space<vmem>>
      %dma_start3A_63 = arith.constant 0 : i32
      %dma_start3A_64 = tpu.memref_slice %arg6[%add3A_59, %dma_start3A_63] : memref<65536x1024xf32, #tpu.memory_space<hbm>> -> memref<1x1024xf32, #tpu.memory_space<hbm>>
      %dma_start3A_65 = tpu.memref_squeeze %dma_start3A_64 : memref<1x1024xf32, #tpu.memory_space<hbm>> -> memref<1024xf32, #tpu.memory_space<hbm>>
      %dma_start3A_66 = arith.constant 0 : i32
      %dma_start3A_67 = tpu.memref_slice %arg6[%add3A_59, %dma_start3A_66] : memref<65536x1024xf32, #tpu.memory_space<hbm>> -> memref<1x1024xf32, #tpu.memory_space<hbm>>
      %dma_start3A_68 = tpu.memref_squeeze %dma_start3A_67 : memref<1x1024xf32, #tpu.memory_space<hbm>> -> memref<1024xf32, #tpu.memory_space<hbm>>
      %dma_start3A_69 = arith.constant 0 : i32
      %dma_start3A_70 = tpu.memref_slice %arg11[%squeeze3A_54, %dma_start3A_69] : memref<34x1024xf32, #tpu.memory_space<vmem>> -> memref<1x1024xf32, #tpu.memory_space<vmem>>
      %dma_start3A_71 = tpu.memref_squeeze %dma_start3A_70 : memref<1x1024xf32, #tpu.memory_space<vmem>> -> memref<1024xf32, #tpu.memory_space<vmem>>
      tpu.enqueue_dma source(%dma_start3A_71 : memref<1024xf32, #tpu.memory_space<vmem>>) target(%dma_start3A_68 : memref<1024xf32, #tpu.memory_space<hbm>>) target_semaphore(%arg12 : memref<!tpu.dma_semaphore, #tpu.memory_space<semaphore_mem>>)
      %slice3A_72 = vector.extract_strided_slice %get3A_36 {offsets = [2], sizes = [1], strides = [1]} : vector<16xi32> to vector<1xi32>
      %squeeze3A_73 = vector.extract %slice3A_72[0] : i32 from vector<1xi32>
      %mul3A_74 = arith.constant 16 : i32
      %mul3A_75 = arith.muli %scan3A_33, %mul3A_74 : i32
      %add3A_76 = arith.addi %mul3A_2, %mul3A_75 : i32
      %add3A_77 = arith.constant 2 : i32
      %add3A_78 = arith.addi %add3A_76, %add3A_77 : i32
      %dma_start3A_79 = arith.constant 0 : i32
      %dma_start3A_80 = tpu.memref_slice %arg11[%squeeze3A_73, %dma_start3A_79] : memref<34x1024xf32, #tpu.memory_space<vmem>> -> memref<1x1024xf32, #tpu.memory_space<vmem>>
      %dma_start3A_81 = tpu.memref_squeeze %dma_start3A_80 : memref<1x1024xf32, #tpu.memory_space<vmem>> -> memref<1024xf32, #tpu.memory_space<vmem>>
      %dma_start3A_82 = arith.constant 0 : i32
      %dma_start3A_83 = tpu.memref_slice %arg6[%add3A_78, %dma_start3A_82] : memref<65536x1024xf32, #tpu.memory_space<hbm>> -> memref<1x1024xf32, #tpu.memory_space<hbm>>
      %dma_start3A_84 = tpu.memref_squeeze %dma_start3A_83 : memref<1x1024xf32, #tpu.memory_space<hbm>> -> memref<1024xf32, #tpu.memory_space<hbm>>
      %dma_start3A_85 = arith.constant 0 : i32
      %dma_start3A_86 = tpu.memref_slice %arg6[%add3A_78, %dma_start3A_85] : memref<65536x1024xf32, #tpu.memory_space<hbm>> -> memref<1x1024xf32, #tpu.memory_space<hbm>>
      %dma_start3A_87 = tpu.memref_squeeze %dma_start3A_86 : memref<1x1024xf32, #tpu.memory_space<hbm>> -> memref<1024xf32, #tpu.memory_space<hbm>>
      %dma_start3A_88 = arith.constant 0 : i32
      %dma_start3A_89 = tpu.memref_slice %arg11[%squeeze3A_73, %dma_start3A_88] : memref<34x1024xf32, #tpu.memory_space<vmem>> -> memref<1x1024xf32, #tpu.memory_space<vmem>>
      %dma_start3A_90 = tpu.memref_squeeze %dma_start3A_89 : memref<1x1024xf32, #tpu.memory_space<vmem>> -> memref<1024xf32, #tpu.memory_space<vmem>>
      tpu.enqueue_dma source(%dma_start3A_90 : memref<1024xf32, #tpu.memory_space<vmem>>) target(%dma_start3A_87 : memref<1024xf32, #tpu.memory_space<hbm>>) target_semaphore(%arg12 : memref<!tpu.dma_semaphore, #tpu.memory_space<semaphore_mem>>)
      %slice3A_91 = vector.extract_strided_slice %get3A_36 {offsets = [3], sizes = [1], strides = [1]} : vector<16xi32> to vector<1xi32>
      %squeeze3A_92 = vector.extract %slice3A_91[0] : i32 from vector<1xi32>
      %mul3A_93 = arith.constant 16 : i32
      %mul3A_94 = arith.muli %scan3A_33, %mul3A_93 : i32
      %add3A_95 = arith.addi %mul3A_2, %mul3A_94 : i32
      %add3A_96 = arith.constant 3 : i32
      %add3A_97 = arith.addi %add3A_95, %add3A_96 : i32
      %dma_start3A_98 = arith.constant 0 : i32
      %dma_start3A_99 = tpu.memref_slice %arg11[%squeeze3A_92, %dma_start3A_98] : memref<34x1024xf32, #tpu.memory_space<vmem>> -> memref<1x1024xf32, #tpu.memory_space<vmem>>
      %dma_start3A_100 = tpu.memref_squeeze %dma_start3A_99 : memref<1x1024xf32, #tpu.memory_space<vmem>> -> memref<1024xf32, #tpu.memory_space<vmem>>
      %dma_start3A_101 = arith.constant 0 : i32
      %dma_start3A_102 = tpu.memref_slice %arg6[%add3A_97, %dma_start3A_101] : memref<65536x1024xf32, #tpu.memory_space<hbm>> -> memref<1x1024xf32, #tpu.memory_space<hbm>>
      %dma_start3A_103 = tpu.memref_squeeze %dma_start3A_102 : memref<1x1024xf32, #tpu.memory_space<hbm>> -> memref<1024xf32, #tpu.memory_space<hbm>>
      %dma_start3A_104 = arith.constant 0 : i32
      %dma_start3A_105 = tpu.memref_slice %arg6[%add3A_97, %dma_start3A_104] : memref<65536x1024xf32, #tpu.memory_space<hbm>> -> memref<1x1024xf32, #tpu.memory_space<hbm>>
      %dma_start3A_106 = tpu.memref_squeeze %dma_start3A_105 : memref<1x1024xf32, #tpu.memory_space<hbm>> -> memref<1024xf32, #tpu.memory_space<hbm>>
      %dma_start3A_107 = arith.constant 0 : i32
      %dma_start3A_108 = tpu.memref_slice %arg11[%squeeze3A_92, %dma_start3A_107] : memref<34x1024xf32, #tpu.memory_space<vmem>> -> memref<1x1024xf32, #tpu.memory_space<vmem>>
      %dma_start3A_109 = tpu.memref_squeeze %dma_start3A_108 : memref<1x1024xf32, #tpu.memory_space<vmem>> -> memref<1024xf32, #tpu.memory_space<vmem>>
      tpu.enqueue_dma source(%dma_start3A_109 : memref<1024xf32, #tpu.memory_space<vmem>>) target(%dma_start3A_106 : memref<1024xf32, #tpu.memory_space<hbm>>) target_semaphore(%arg12 : memref<!tpu.dma_semaphore, #tpu.memory_space<semaphore_mem>>)
      %slice3A_110 = vector.extract_strided_slice %get3A_36 {offsets = [4], sizes = [1], strides = [1]} : vector<16xi32> to vector<1xi32>
      %squeeze3A_111 = vector.extract %slice3A_110[0] : i32 from vector<1xi32>
      %mul3A_112 = arith.constant 16 : i32
      %mul3A_113 = arith.muli %scan3A_33, %mul3A_112 : i32
      %add3A_114 = arith.addi %mul3A_2, %mul3A_113 : i32
      %add3A_115 = arith.constant 4 : i32
      %add3A_116 = arith.addi %add3A_114, %add3A_115 : i32
      %dma_start3A_117 = arith.constant 0 : i32
      %dma_start3A_118 = tpu.memref_slice %arg11[%squeeze3A_111, %dma_start3A_117] : memref<34x1024xf32, #tpu.memory_space<vmem>> -> memref<1x1024xf32, #tpu.memory_space<vmem>>
      %dma_start3A_119 = tpu.memref_squeeze %dma_start3A_118 : memref<1x1024xf32, #tpu.memory_space<vmem>> -> memref<1024xf32, #tpu.memory_space<vmem>>
      %dma_start3A_120 = arith.constant 0 : i32
      %dma_start3A_121 = tpu.memref_slice %arg6[%add3A_116, %dma_start3A_120] : memref<65536x1024xf32, #tpu.memory_space<hbm>> -> memref<1x1024xf32, #tpu.memory_space<hbm>>
      %dma_start3A_122 = tpu.memref_squeeze %dma_start3A_121 : memref<1x1024xf32, #tpu.memory_space<hbm>> -> memref<1024xf32, #tpu.memory_space<hbm>>
      %dma_start3A_123 = arith.constant 0 : i32
      %dma_start3A_124 = tpu.memref_slice %arg6[%add3A_116, %dma_start3A_123] : memref<65536x1024xf32, #tpu.memory_space<hbm>> -> memref<1x1024xf32, #tpu.memory_space<hbm>>
      %dma_start3A_125 = tpu.memref_squeeze %dma_start3A_124 : memref<1x1024xf32, #tpu.memory_space<hbm>> -> memref<1024xf32, #tpu.memory_space<hbm>>
      %dma_start3A_126 = arith.constant 0 : i32
      %dma_start3A_127 = tpu.memref_slice %arg11[%squeeze3A_111, %dma_start3A_126] : memref<34x1024xf32, #tpu.memory_space<vmem>> -> memref<1x1024xf32, #tpu.memory_space<vmem>>
      %dma_start3A_128 = tpu.memref_squeeze %dma_start3A_127 : memref<1x1024xf32, #tpu.memory_space<vmem>> -> memref<1024xf32, #tpu.memory_space<vmem>>
      tpu.enqueue_dma source(%dma_start3A_128 : memref<1024xf32, #tpu.memory_space<vmem>>) target(%dma_start3A_125 : memref<1024xf32, #tpu.memory_space<hbm>>) target_semaphore(%arg12 : memref<!tpu.dma_semaphore, #tpu.memory_space<semaphore_mem>>)
      %slice3A_129 = vector.extract_strided_slice %get3A_36 {offsets = [5], sizes = [1], strides = [1]} : vector<16xi32> to vector<1xi32>
      %squeeze3A_130 = vector.extract %slice3A_129[0] : i32 from vector<1xi32>
      %mul3A_131 = arith.constant 16 : i32
      %mul3A_132 = arith.muli %scan3A_33, %mul3A_131 : i32
      %add3A_133 = arith.addi %mul3A_2, %mul3A_132 : i32
      %add3A_134 = arith.constant 5 : i32
      %add3A_135 = arith.addi %add3A_133, %add3A_134 : i32
      %dma_start3A_136 = arith.constant 0 : i32
      %dma_start3A_137 = tpu.memref_slice %arg11[%squeeze3A_130, %dma_start3A_136] : memref<34x1024xf32, #tpu.memory_space<vmem>> -> memref<1x1024xf32, #tpu.memory_space<vmem>>
      %dma_start3A_138 = tpu.memref_squeeze %dma_start3A_137 : memref<1x1024xf32, #tpu.memory_space<vmem>> -> memref<1024xf32, #tpu.memory_space<vmem>>
      %dma_start3A_139 = arith.constant 0 : i32
      %dma_start3A_140 = tpu.memref_slice %arg6[%add3A_135, %dma_start3A_139] : memref<65536x1024xf32, #tpu.memory_space<hbm>> -> memref<1x1024xf32, #tpu.memory_space<hbm>>
      %dma_start3A_141 = tpu.memref_squeeze %dma_start3A_140 : memref<1x1024xf32, #tpu.memory_space<hbm>> -> memref<1024xf32, #tpu.memory_space<hbm>>
      %dma_start3A_142 = arith.constant 0 : i32
      %dma_start3A_143 = tpu.memref_slice %arg6[%add3A_135, %dma_start3A_142] : memref<65536x1024xf32, #tpu.memory_space<hbm>> -> memref<1x1024xf32, #tpu.memory_space<hbm>>
      %dma_start3A_144 = tpu.memref_squeeze %dma_start3A_143 : memref<1x1024xf32, #tpu.memory_space<hbm>> -> memref<1024xf32, #tpu.memory_space<hbm>>
      %dma_start3A_145 = arith.constant 0 : i32
      %dma_start3A_146 = tpu.memref_slice %arg11[%squeeze3A_130, %dma_start3A_145] : memref<34x1024xf32, #tpu.memory_space<vmem>> -> memref<1x1024xf32, #tpu.memory_space<vmem>>
      %dma_start3A_147 = tpu.memref_squeeze %dma_start3A_146 : memref<1x1024xf32, #tpu.memory_space<vmem>> -> memref<1024xf32, #tpu.memory_space<vmem>>
      tpu.enqueue_dma source(%dma_start3A_147 : memref<1024xf32, #tpu.memory_space<vmem>>) target(%dma_start3A_144 : memref<1024xf32, #tpu.memory_space<hbm>>) target_semaphore(%arg12 : memref<!tpu.dma_semaphore, #tpu.memory_space<semaphore_mem>>)
      %slice3A_148 = vector.extract_strided_slice %get3A_36 {offsets = [6], sizes = [1], strides = [1]} : vector<16xi32> to vector<1xi32>
      %squeeze3A_149 = vector.extract %slice3A_148[0] : i32 from vector<1xi32>
      %mul3A_150 = arith.constant 16 : i32
      %mul3A_151 = arith.muli %scan3A_33, %mul3A_150 : i32
      %add3A_152 = arith.addi %mul3A_2, %mul3A_151 : i32
      %add3A_153 = arith.constant 6 : i32
      %add3A_154 = arith.addi %add3A_152, %add3A_153 : i32
      %dma_start3A_155 = arith.constant 0 : i32
      %dma_start3A_156 = tpu.memref_slice %arg11[%squeeze3A_149, %dma_start3A_155] : memref<34x1024xf32, #tpu.memory_space<vmem>> -> memref<1x1024xf32, #tpu.memory_space<vmem>>
      %dma_start3A_157 = tpu.memref_squeeze %dma_start3A_156 : memref<1x1024xf32, #tpu.memory_space<vmem>> -> memref<1024xf32, #tpu.memory_space<vmem>>
      %dma_start3A_158 = arith.constant 0 : i32
      %dma_start3A_159 = tpu.memref_slice %arg6[%add3A_154, %dma_start3A_158] : memref<65536x1024xf32, #tpu.memory_space<hbm>> -> memref<1x1024xf32, #tpu.memory_space<hbm>>
      %dma_start3A_160 = tpu.memref_squeeze %dma_start3A_159 : memref<1x1024xf32, #tpu.memory_space<hbm>> -> memref<1024xf32, #tpu.memory_space<hbm>>
      %dma_start3A_161 = arith.constant 0 : i32
      %dma_start3A_162 = tpu.memref_slice %arg6[%add3A_154, %dma_start3A_161] : memref<65536x1024xf32, #tpu.memory_space<hbm>> -> memref<1x1024xf32, #tpu.memory_space<hbm>>
      %dma_start3A_163 = tpu.memref_squeeze %dma_start3A_162 : memref<1x1024xf32, #tpu.memory_space<hbm>> -> memref<1024xf32, #tpu.memory_space<hbm>>
      %dma_start3A_164 = arith.constant 0 : i32
      %dma_start3A_165 = tpu.memref_slice %arg11[%squeeze3A_149, %dma_start3A_164] : memref<34x1024xf32, #tpu.memory_space<vmem>> -> memref<1x1024xf32, #tpu.memory_space<vmem>>
      %dma_start3A_166 = tpu.memref_squeeze %dma_start3A_165 : memref<1x1024xf32, #tpu.memory_space<vmem>> -> memref<1024xf32, #tpu.memory_space<vmem>>
      tpu.enqueue_dma source(%dma_start3A_166 : memref<1024xf32, #tpu.memory_space<vmem>>) target(%dma_start3A_163 : memref<1024xf32, #tpu.memory_space<hbm>>) target_semaphore(%arg12 : memref<!tpu.dma_semaphore, #tpu.memory_space<semaphore_mem>>)
      %slice3A_167 = vector.extract_strided_slice %get3A_36 {offsets = [7], sizes = [1], strides = [1]} : vector<16xi32> to vector<1xi32>
      %squeeze3A_168 = vector.extract %slice3A_167[0] : i32 from vector<1xi32>
      %mul3A_169 = arith.constant 16 : i32
      %mul3A_170 = arith.muli %scan3A_33, %mul3A_169 : i32
      %add3A_171 = arith.addi %mul3A_2, %mul3A_170 : i32
      %add3A_172 = arith.constant 7 : i32
      %add3A_173 = arith.addi %add3A_171, %add3A_172 : i32
      %dma_start3A_174 = arith.constant 0 : i32
      %dma_start3A_175 = tpu.memref_slice %arg11[%squeeze3A_168, %dma_start3A_174] : memref<34x1024xf32, #tpu.memory_space<vmem>> -> memref<1x1024xf32, #tpu.memory_space<vmem>>
      %dma_start3A_176 = tpu.memref_squeeze %dma_start3A_175 : memref<1x1024xf32, #tpu.memory_space<vmem>> -> memref<1024xf32, #tpu.memory_space<vmem>>
      %dma_start3A_177 = arith.constant 0 : i32
      %dma_start3A_178 = tpu.memref_slice %arg6[%add3A_173, %dma_start3A_177] : memref<65536x1024xf32, #tpu.memory_space<hbm>> -> memref<1x1024xf32, #tpu.memory_space<hbm>>
      %dma_start3A_179 = tpu.memref_squeeze %dma_start3A_178 : memref<1x1024xf32, #tpu.memory_space<hbm>> -> memref<1024xf32, #tpu.memory_space<hbm>>
      %dma_start3A_180 = arith.constant 0 : i32
      %dma_start3A_181 = tpu.memref_slice %arg6[%add3A_173, %dma_start3A_180] : memref<65536x1024xf32, #tpu.memory_space<hbm>> -> memref<1x1024xf32, #tpu.memory_space<hbm>>
      %dma_start3A_182 = tpu.memref_squeeze %dma_start3A_181 : memref<1x1024xf32, #tpu.memory_space<hbm>> -> memref<1024xf32, #tpu.memory_space<hbm>>
      %dma_start3A_183 = arith.constant 0 : i32
      %dma_start3A_184 = tpu.memref_slice %arg11[%squeeze3A_168, %dma_start3A_183] : memref<34x1024xf32, #tpu.memory_space<vmem>> -> memref<1x1024xf32, #tpu.memory_space<vmem>>
      %dma_start3A_185 = tpu.memref_squeeze %dma_start3A_184 : memref<1x1024xf32, #tpu.memory_space<vmem>> -> memref<1024xf32, #tpu.memory_space<vmem>>
      tpu.enqueue_dma source(%dma_start3A_185 : memref<1024xf32, #tpu.memory_space<vmem>>) target(%dma_start3A_182 : memref<1024xf32, #tpu.memory_space<hbm>>) target_semaphore(%arg12 : memref<!tpu.dma_semaphore, #tpu.memory_space<semaphore_mem>>)
      %slice3A_186 = vector.extract_strided_slice %get3A_36 {offsets = [8], sizes = [1], strides = [1]} : vector<16xi32> to vector<1xi32>
      %squeeze3A_187 = vector.extract %slice3A_186[0] : i32 from vector<1xi32>
      %mul3A_188 = arith.constant 16 : i32
      %mul3A_189 = arith.muli %scan3A_33, %mul3A_188 : i32
      %add3A_190 = arith.addi %mul3A_2, %mul3A_189 : i32
      %add3A_191 = arith.constant 8 : i32
      %add3A_192 = arith.addi %add3A_190, %add3A_191 : i32
      %dma_start3A_193 = arith.constant 0 : i32
      %dma_start3A_194 = tpu.memref_slice %arg11[%squeeze3A_187, %dma_start3A_193] : memref<34x1024xf32, #tpu.memory_space<vmem>> -> memref<1x1024xf32, #tpu.memory_space<vmem>>
      %dma_start3A_195 = tpu.memref_squeeze %dma_start3A_194 : memref<1x1024xf32, #tpu.memory_space<vmem>> -> memref<1024xf32, #tpu.memory_space<vmem>>
      %dma_start3A_196 = arith.constant 0 : i32
      %dma_start3A_197 = tpu.memref_slice %arg6[%add3A_192, %dma_start3A_196] : memref<65536x1024xf32, #tpu.memory_space<hbm>> -> memref<1x1024xf32, #tpu.memory_space<hbm>>
      %dma_start3A_198 = tpu.memref_squeeze %dma_start3A_197 : memref<1x1024xf32, #tpu.memory_space<hbm>> -> memref<1024xf32, #tpu.memory_space<hbm>>
      %dma_start3A_199 = arith.constant 0 : i32
      %dma_start3A_200 = tpu.memref_slice %arg6[%add3A_192, %dma_start3A_199] : memref<65536x1024xf32, #tpu.memory_space<hbm>> -> memref<1x1024xf32, #tpu.memory_space<hbm>>
      %dma_start3A_201 = tpu.memref_squeeze %dma_start3A_200 : memref<1x1024xf32, #tpu.memory_space<hbm>> -> memref<1024xf32, #tpu.memory_space<hbm>>
      %dma_start3A_202 = arith.constant 0 : i32
      %dma_start3A_203 = tpu.memref_slice %arg11[%squeeze3A_187, %dma_start3A_202] : memref<34x1024xf32, #tpu.memory_space<vmem>> -> memref<1x1024xf32, #tpu.memory_space<vmem>>
      %dma_start3A_204 = tpu.memref_squeeze %dma_start3A_203 : memref<1x1024xf32, #tpu.memory_space<vmem>> -> memref<1024xf32, #tpu.memory_space<vmem>>
      tpu.enqueue_dma source(%dma_start3A_204 : memref<1024xf32, #tpu.memory_space<vmem>>) target(%dma_start3A_201 : memref<1024xf32, #tpu.memory_space<hbm>>) target_semaphore(%arg12 : memref<!tpu.dma_semaphore, #tpu.memory_space<semaphore_mem>>)
      %slice3A_205 = vector.extract_strided_slice %get3A_36 {offsets = [9], sizes = [1], strides = [1]} : vector<16xi32> to vector<1xi32>
      %squeeze3A_206 = vector.extract %slice3A_205[0] : i32 from vector<1xi32>
      %mul3A_207 = arith.constant 16 : i32
      %mul3A_208 = arith.muli %scan3A_33, %mul3A_207 : i32
      %add3A_209 = arith.addi %mul3A_2, %mul3A_208 : i32
      %add3A_210 = arith.constant 9 : i32
      %add3A_211 = arith.addi %add3A_209, %add3A_210 : i32
      %dma_start3A_212 = arith.constant 0 : i32
      %dma_start3A_213 = tpu.memref_slice %arg11[%squeeze3A_206, %dma_start3A_212] : memref<34x1024xf32, #tpu.memory_space<vmem>> -> memref<1x1024xf32, #tpu.memory_space<vmem>>
      %dma_start3A_214 = tpu.memref_squeeze %dma_start3A_213 : memref<1x1024xf32, #tpu.memory_space<vmem>> -> memref<1024xf32, #tpu.memory_space<vmem>>
      %dma_start3A_215 = arith.constant 0 : i32
      %dma_start3A_216 = tpu.memref_slice %arg6[%add3A_211, %dma_start3A_215] : memref<65536x1024xf32, #tpu.memory_space<hbm>> -> memref<1x1024xf32, #tpu.memory_space<hbm>>
      %dma_start3A_217 = tpu.memref_squeeze %dma_start3A_216 : memref<1x1024xf32, #tpu.memory_space<hbm>> -> memref<1024xf32, #tpu.memory_space<hbm>>
      %dma_start3A_218 = arith.constant 0 : i32
      %dma_start3A_219 = tpu.memref_slice %arg6[%add3A_211, %dma_start3A_218] : memref<65536x1024xf32, #tpu.memory_space<hbm>> -> memref<1x1024xf32, #tpu.memory_space<hbm>>
      %dma_start3A_220 = tpu.memref_squeeze %dma_start3A_219 : memref<1x1024xf32, #tpu.memory_space<hbm>> -> memref<1024xf32, #tpu.memory_space<hbm>>
      %dma_start3A_221 = arith.constant 0 : i32
      %dma_start3A_222 = tpu.memref_slice %arg11[%squeeze3A_206, %dma_start3A_221] : memref<34x1024xf32, #tpu.memory_space<vmem>> -> memref<1x1024xf32, #tpu.memory_space<vmem>>
      %dma_start3A_223 = tpu.memref_squeeze %dma_start3A_222 : memref<1x1024xf32, #tpu.memory_space<vmem>> -> memref<1024xf32, #tpu.memory_space<vmem>>
      tpu.enqueue_dma source(%dma_start3A_223 : memref<1024xf32, #tpu.memory_space<vmem>>) target(%dma_start3A_220 : memref<1024xf32, #tpu.memory_space<hbm>>) target_semaphore(%arg12 : memref<!tpu.dma_semaphore, #tpu.memory_space<semaphore_mem>>)
      %slice3A_224 = vector.extract_strided_slice %get3A_36 {offsets = [10], sizes = [1], strides = [1]} : vector<16xi32> to vector<1xi32>
      %squeeze3A_225 = vector.extract %slice3A_224[0] : i32 from vector<1xi32>
      %mul3A_226 = arith.constant 16 : i32
      %mul3A_227 = arith.muli %scan3A_33, %mul3A_226 : i32
      %add3A_228 = arith.addi %mul3A_2, %mul3A_227 : i32
      %add3A_229 = arith.constant 10 : i32
      %add3A_230 = arith.addi %add3A_228, %add3A_229 : i32
      %dma_start3A_231 = arith.constant 0 : i32
      %dma_start3A_232 = tpu.memref_slice %arg11[%squeeze3A_225, %dma_start3A_231] : memref<34x1024xf32, #tpu.memory_space<vmem>> -> memref<1x1024xf32, #tpu.memory_space<vmem>>
      %dma_start3A_233 = tpu.memref_squeeze %dma_start3A_232 : memref<1x1024xf32, #tpu.memory_space<vmem>> -> memref<1024xf32, #tpu.memory_space<vmem>>
      %dma_start3A_234 = arith.constant 0 : i32
      %dma_start3A_235 = tpu.memref_slice %arg6[%add3A_230, %dma_start3A_234] : memref<65536x1024xf32, #tpu.memory_space<hbm>> -> memref<1x1024xf32, #tpu.memory_space<hbm>>
      %dma_start3A_236 = tpu.memref_squeeze %dma_start3A_235 : memref<1x1024xf32, #tpu.memory_space<hbm>> -> memref<1024xf32, #tpu.memory_space<hbm>>
      %dma_start3A_237 = arith.constant 0 : i32
      %dma_start3A_238 = tpu.memref_slice %arg6[%add3A_230, %dma_start3A_237] : memref<65536x1024xf32, #tpu.memory_space<hbm>> -> memref<1x1024xf32, #tpu.memory_space<hbm>>
      %dma_start3A_239 = tpu.memref_squeeze %dma_start3A_238 : memref<1x1024xf32, #tpu.memory_space<hbm>> -> memref<1024xf32, #tpu.memory_space<hbm>>
      %dma_start3A_240 = arith.constant 0 : i32
      %dma_start3A_241 = tpu.memref_slice %arg11[%squeeze3A_225, %dma_start3A_240] : memref<34x1024xf32, #tpu.memory_space<vmem>> -> memref<1x1024xf32, #tpu.memory_space<vmem>>
      %dma_start3A_242 = tpu.memref_squeeze %dma_start3A_241 : memref<1x1024xf32, #tpu.memory_space<vmem>> -> memref<1024xf32, #tpu.memory_space<vmem>>
      tpu.enqueue_dma source(%dma_start3A_242 : memref<1024xf32, #tpu.memory_space<vmem>>) target(%dma_start3A_239 : memref<1024xf32, #tpu.memory_space<hbm>>) target_semaphore(%arg12 : memref<!tpu.dma_semaphore, #tpu.memory_space<semaphore_mem>>)
      %slice3A_243 = vector.extract_strided_slice %get3A_36 {offsets = [11], sizes = [1], strides = [1]} : vector<16xi32> to vector<1xi32>
      %squeeze3A_244 = vector.extract %slice3A_243[0] : i32 from vector<1xi32>
      %mul3A_245 = arith.constant 16 : i32
      %mul3A_246 = arith.muli %scan3A_33, %mul3A_245 : i32
      %add3A_247 = arith.addi %mul3A_2, %mul3A_246 : i32
      %add3A_248 = arith.constant 11 : i32
      %add3A_249 = arith.addi %add3A_247, %add3A_248 : i32
      %dma_start3A_250 = arith.constant 0 : i32
      %dma_start3A_251 = tpu.memref_slice %arg11[%squeeze3A_244, %dma_start3A_250] : memref<34x1024xf32, #tpu.memory_space<vmem>> -> memref<1x1024xf32, #tpu.memory_space<vmem>>
      %dma_start3A_252 = tpu.memref_squeeze %dma_start3A_251 : memref<1x1024xf32, #tpu.memory_space<vmem>> -> memref<1024xf32, #tpu.memory_space<vmem>>
      %dma_start3A_253 = arith.constant 0 : i32
      %dma_start3A_254 = tpu.memref_slice %arg6[%add3A_249, %dma_start3A_253] : memref<65536x1024xf32, #tpu.memory_space<hbm>> -> memref<1x1024xf32, #tpu.memory_space<hbm>>
      %dma_start3A_255 = tpu.memref_squeeze %dma_start3A_254 : memref<1x1024xf32, #tpu.memory_space<hbm>> -> memref<1024xf32, #tpu.memory_space<hbm>>
      %dma_start3A_256 = arith.constant 0 : i32
      %dma_start3A_257 = tpu.memref_slice %arg6[%add3A_249, %dma_start3A_256] : memref<65536x1024xf32, #tpu.memory_space<hbm>> -> memref<1x1024xf32, #tpu.memory_space<hbm>>
      %dma_start3A_258 = tpu.memref_squeeze %dma_start3A_257 : memref<1x1024xf32, #tpu.memory_space<hbm>> -> memref<1024xf32, #tpu.memory_space<hbm>>
      %dma_start3A_259 = arith.constant 0 : i32
      %dma_start3A_260 = tpu.memref_slice %arg11[%squeeze3A_244, %dma_start3A_259] : memref<34x1024xf32, #tpu.memory_space<vmem>> -> memref<1x1024xf32, #tpu.memory_space<vmem>>
      %dma_start3A_261 = tpu.memref_squeeze %dma_start3A_260 : memref<1x1024xf32, #tpu.memory_space<vmem>> -> memref<1024xf32, #tpu.memory_space<vmem>>
      tpu.enqueue_dma source(%dma_start3A_261 : memref<1024xf32, #tpu.memory_space<vmem>>) target(%dma_start3A_258 : memref<1024xf32, #tpu.memory_space<hbm>>) target_semaphore(%arg12 : memref<!tpu.dma_semaphore, #tpu.memory_space<semaphore_mem>>)
      %slice3A_262 = vector.extract_strided_slice %get3A_36 {offsets = [12], sizes = [1], strides = [1]} : vector<16xi32> to vector<1xi32>
      %squeeze3A_263 = vector.extract %slice3A_262[0] : i32 from vector<1xi32>
      %mul3A_264 = arith.constant 16 : i32
      %mul3A_265 = arith.muli %scan3A_33, %mul3A_264 : i32
      %add3A_266 = arith.addi %mul3A_2, %mul3A_265 : i32
      %add3A_267 = arith.constant 12 : i32
      %add3A_268 = arith.addi %add3A_266, %add3A_267 : i32
      %dma_start3A_269 = arith.constant 0 : i32
      %dma_start3A_270 = tpu.memref_slice %arg11[%squeeze3A_263, %dma_start3A_269] : memref<34x1024xf32, #tpu.memory_space<vmem>> -> memref<1x1024xf32, #tpu.memory_space<vmem>>
      %dma_start3A_271 = tpu.memref_squeeze %dma_start3A_270 : memref<1x1024xf32, #tpu.memory_space<vmem>> -> memref<1024xf32, #tpu.memory_space<vmem>>
      %dma_start3A_272 = arith.constant 0 : i32
      %dma_start3A_273 = tpu.memref_slice %arg6[%add3A_268, %dma_start3A_272] : memref<65536x1024xf32, #tpu.memory_space<hbm>> -> memref<1x1024xf32, #tpu.memory_space<hbm>>
      %dma_start3A_274 = tpu.memref_squeeze %dma_start3A_273 : memref<1x1024xf32, #tpu.memory_space<hbm>> -> memref<1024xf32, #tpu.memory_space<hbm>>
      %dma_start3A_275 = arith.constant 0 : i32
      %dma_start3A_276 = tpu.memref_slice %arg6[%add3A_268, %dma_start3A_275] : memref<65536x1024xf32, #tpu.memory_space<hbm>> -> memref<1x1024xf32, #tpu.memory_space<hbm>>
      %dma_start3A_277 = tpu.memref_squeeze %dma_start3A_276 : memref<1x1024xf32, #tpu.memory_space<hbm>> -> memref<1024xf32, #tpu.memory_space<hbm>>
      %dma_start3A_278 = arith.constant 0 : i32
      %dma_start3A_279 = tpu.memref_slice %arg11[%squeeze3A_263, %dma_start3A_278] : memref<34x1024xf32, #tpu.memory_space<vmem>> -> memref<1x1024xf32, #tpu.memory_space<vmem>>
      %dma_start3A_280 = tpu.memref_squeeze %dma_start3A_279 : memref<1x1024xf32, #tpu.memory_space<vmem>> -> memref<1024xf32, #tpu.memory_space<vmem>>
      tpu.enqueue_dma source(%dma_start3A_280 : memref<1024xf32, #tpu.memory_space<vmem>>) target(%dma_start3A_277 : memref<1024xf32, #tpu.memory_space<hbm>>) target_semaphore(%arg12 : memref<!tpu.dma_semaphore, #tpu.memory_space<semaphore_mem>>)
      %slice3A_281 = vector.extract_strided_slice %get3A_36 {offsets = [13], sizes = [1], strides = [1]} : vector<16xi32> to vector<1xi32>
      %squeeze3A_282 = vector.extract %slice3A_281[0] : i32 from vector<1xi32>
      %mul3A_283 = arith.constant 16 : i32
      %mul3A_284 = arith.muli %scan3A_33, %mul3A_283 : i32
      %add3A_285 = arith.addi %mul3A_2, %mul3A_284 : i32
      %add3A_286 = arith.constant 13 : i32
      %add3A_287 = arith.addi %add3A_285, %add3A_286 : i32
      %dma_start3A_288 = arith.constant 0 : i32
      %dma_start3A_289 = tpu.memref_slice %arg11[%squeeze3A_282, %dma_start3A_288] : memref<34x1024xf32, #tpu.memory_space<vmem>> -> memref<1x1024xf32, #tpu.memory_space<vmem>>
      %dma_start3A_290 = tpu.memref_squeeze %dma_start3A_289 : memref<1x1024xf32, #tpu.memory_space<vmem>> -> memref<1024xf32, #tpu.memory_space<vmem>>
      %dma_start3A_291 = arith.constant 0 : i32
      %dma_start3A_292 = tpu.memref_slice %arg6[%add3A_287, %dma_start3A_291] : memref<65536x1024xf32, #tpu.memory_space<hbm>> -> memref<1x1024xf32, #tpu.memory_space<hbm>>
      %dma_start3A_293 = tpu.memref_squeeze %dma_start3A_292 : memref<1x1024xf32, #tpu.memory_space<hbm>> -> memref<1024xf32, #tpu.memory_space<hbm>>
      %dma_start3A_294 = arith.constant 0 : i32
      %dma_start3A_295 = tpu.memref_slice %arg6[%add3A_287, %dma_start3A_294] : memref<65536x1024xf32, #tpu.memory_space<hbm>> -> memref<1x1024xf32, #tpu.memory_space<hbm>>
      %dma_start3A_296 = tpu.memref_squeeze %dma_start3A_295 : memref<1x1024xf32, #tpu.memory_space<hbm>> -> memref<1024xf32, #tpu.memory_space<hbm>>
      %dma_start3A_297 = arith.constant 0 : i32
      %dma_start3A_298 = tpu.memref_slice %arg11[%squeeze3A_282, %dma_start3A_297] : memref<34x1024xf32, #tpu.memory_space<vmem>> -> memref<1x1024xf32, #tpu.memory_space<vmem>>
      %dma_start3A_299 = tpu.memref_squeeze %dma_start3A_298 : memref<1x1024xf32, #tpu.memory_space<vmem>> -> memref<1024xf32, #tpu.memory_space<vmem>>
      tpu.enqueue_dma source(%dma_start3A_299 : memref<1024xf32, #tpu.memory_space<vmem>>) target(%dma_start3A_296 : memref<1024xf32, #tpu.memory_space<hbm>>) target_semaphore(%arg12 : memref<!tpu.dma_semaphore, #tpu.memory_space<semaphore_mem>>)
      %slice3A_300 = vector.extract_strided_slice %get3A_36 {offsets = [14], sizes = [1], strides = [1]} : vector<16xi32> to vector<1xi32>
      %squeeze3A_301 = vector.extract %slice3A_300[0] : i32 from vector<1xi32>
      %mul3A_302 = arith.constant 16 : i32
      %mul3A_303 = arith.muli %scan3A_33, %mul3A_302 : i32
      %add3A_304 = arith.addi %mul3A_2, %mul3A_303 : i32
      %add3A_305 = arith.constant 14 : i32
      %add3A_306 = arith.addi %add3A_304, %add3A_305 : i32
      %dma_start3A_307 = arith.constant 0 : i32
      %dma_start3A_308 = tpu.memref_slice %arg11[%squeeze3A_301, %dma_start3A_307] : memref<34x1024xf32, #tpu.memory_space<vmem>> -> memref<1x1024xf32, #tpu.memory_space<vmem>>
      %dma_start3A_309 = tpu.memref_squeeze %dma_start3A_308 : memref<1x1024xf32, #tpu.memory_space<vmem>> -> memref<1024xf32, #tpu.memory_space<vmem>>
      %dma_start3A_310 = arith.constant 0 : i32
      %dma_start3A_311 = tpu.memref_slice %arg6[%add3A_306, %dma_start3A_310] : memref<65536x1024xf32, #tpu.memory_space<hbm>> -> memref<1x1024xf32, #tpu.memory_space<hbm>>
      %dma_start3A_312 = tpu.memref_squeeze %dma_start3A_311 : memref<1x1024xf32, #tpu.memory_space<hbm>> -> memref<1024xf32, #tpu.memory_space<hbm>>
      %dma_start3A_313 = arith.constant 0 : i32
      %dma_start3A_314 = tpu.memref_slice %arg6[%add3A_306, %dma_start3A_313] : memref<65536x1024xf32, #tpu.memory_space<hbm>> -> memref<1x1024xf32, #tpu.memory_space<hbm>>
      %dma_start3A_315 = tpu.memref_squeeze %dma_start3A_314 : memref<1x1024xf32, #tpu.memory_space<hbm>> -> memref<1024xf32, #tpu.memory_space<hbm>>
      %dma_start3A_316 = arith.constant 0 : i32
      %dma_start3A_317 = tpu.memref_slice %arg11[%squeeze3A_301, %dma_start3A_316] : memref<34x1024xf32, #tpu.memory_space<vmem>> -> memref<1x1024xf32, #tpu.memory_space<vmem>>
      %dma_start3A_318 = tpu.memref_squeeze %dma_start3A_317 : memref<1x1024xf32, #tpu.memory_space<vmem>> -> memref<1024xf32, #tpu.memory_space<vmem>>
      tpu.enqueue_dma source(%dma_start3A_318 : memref<1024xf32, #tpu.memory_space<vmem>>) target(%dma_start3A_315 : memref<1024xf32, #tpu.memory_space<hbm>>) target_semaphore(%arg12 : memref<!tpu.dma_semaphore, #tpu.memory_space<semaphore_mem>>)
      %slice3A_319 = vector.extract_strided_slice %get3A_36 {offsets = [15], sizes = [1], strides = [1]} : vector<16xi32> to vector<1xi32>
      %squeeze3A_320 = vector.extract %slice3A_319[0] : i32 from vector<1xi32>
      %mul3A_321 = arith.constant 16 : i32
      %mul3A_322 = arith.muli %scan3A_33, %mul3A_321 : i32
      %add3A_323 = arith.addi %mul3A_2, %mul3A_322 : i32
      %add3A_324 = arith.constant 15 : i32
      %add3A_325 = arith.addi %add3A_323, %add3A_324 : i32
      %dma_start3A_326 = arith.constant 0 : i32
      %dma_start3A_327 = tpu.memref_slice %arg11[%squeeze3A_320, %dma_start3A_326] : memref<34x1024xf32, #tpu.memory_space<vmem>> -> memref<1x1024xf32, #tpu.memory_space<vmem>>
      %dma_start3A_328 = tpu.memref_squeeze %dma_start3A_327 : memref<1x1024xf32, #tpu.memory_space<vmem>> -> memref<1024xf32, #tpu.memory_space<vmem>>
      %dma_start3A_329 = arith.constant 0 : i32
      %dma_start3A_330 = tpu.memref_slice %arg6[%add3A_325, %dma_start3A_329] : memref<65536x1024xf32, #tpu.memory_space<hbm>> -> memref<1x1024xf32, #tpu.memory_space<hbm>>
      %dma_start3A_331 = tpu.memref_squeeze %dma_start3A_330 : memref<1x1024xf32, #tpu.memory_space<hbm>> -> memref<1024xf32, #tpu.memory_space<hbm>>
      %dma_start3A_332 = arith.constant 0 : i32
      %dma_start3A_333 = tpu.memref_slice %arg6[%add3A_325, %dma_start3A_332] : memref<65536x1024xf32, #tpu.memory_space<hbm>> -> memref<1x1024xf32, #tpu.memory_space<hbm>>
      %dma_start3A_334 = tpu.memref_squeeze %dma_start3A_333 : memref<1x1024xf32, #tpu.memory_space<hbm>> -> memref<1024xf32, #tpu.memory_space<hbm>>
      %dma_start3A_335 = arith.constant 0 : i32
      %dma_start3A_336 = tpu.memref_slice %arg11[%squeeze3A_320, %dma_start3A_335] : memref<34x1024xf32, #tpu.memory_space<vmem>> -> memref<1x1024xf32, #tpu.memory_space<vmem>>
      %dma_start3A_337 = tpu.memref_squeeze %dma_start3A_336 : memref<1x1024xf32, #tpu.memory_space<vmem>> -> memref<1024xf32, #tpu.memory_space<vmem>>
      tpu.enqueue_dma source(%dma_start3A_337 : memref<1024xf32, #tpu.memory_space<vmem>>) target(%dma_start3A_334 : memref<1024xf32, #tpu.memory_space<hbm>>) target_semaphore(%arg12 : memref<!tpu.dma_semaphore, #tpu.memory_space<semaphore_mem>>)
      %ge3A = arith.constant 4 : i32
      %ge3A_338 = arith.cmpi sge, %scan3A_33, %ge3A : i32
      %convert_element_type3A = arith.extui %ge3A_338 : i1 to i32
      %cond3A = arith.constant 0 : i32
      %cond3A_339 = arith.cmpi ne, %convert_element_type3A, %cond3A : i32
      scf.if %cond3A_339 {
        %dma_wait3A_340 = arith.constant 0 : i32
        %dma_wait3A_341 = tpu.memref_slice %arg6[%mul3A_2, %dma_wait3A_340] : memref<65536x1024xf32, #tpu.memory_space<hbm>> -> memref<16x1024xf32, #tpu.memory_space<hbm>>
        %dma_wait3A_342 = arith.constant 0 : i32
        %dma_wait3A_343 = arith.constant 0 : i32
        %dma_wait3A_344 = tpu.memref_slice %arg2[%dma_wait3A_342, %dma_wait3A_343] : memref<34x1024xf32, #tpu.memory_space<hbm>> -> memref<16x1024xf32, #tpu.memory_space<hbm>>
        tpu.wait_dma2 semaphore(%arg12 : memref<!tpu.dma_semaphore, #tpu.memory_space<semaphore_mem>>) src(%dma_wait3A_344 : memref<16x1024xf32, #tpu.memory_space<hbm>>) dst(%dma_wait3A_341 : memref<16x1024xf32, #tpu.memory_space<hbm>>)
      } else {
      }
    }
    %scan3A_13 = arith.constant 128 : i32
    %dma_wait3A = arith.constant 0 : i32
    %dma_wait3A_14 = tpu.memref_slice %arg6[%mul3A_2, %dma_wait3A] : memref<65536x1024xf32, #tpu.memory_space<hbm>> -> memref<16x1024xf32, #tpu.memory_space<hbm>>
    %dma_wait3A_15 = arith.constant 0 : i32
    %dma_wait3A_16 = arith.constant 0 : i32
    %dma_wait3A_17 = tpu.memref_slice %arg2[%dma_wait3A_15, %dma_wait3A_16] : memref<34x1024xf32, #tpu.memory_space<hbm>> -> memref<16x1024xf32, #tpu.memory_space<hbm>>
    tpu.wait_dma2 semaphore(%arg12 : memref<!tpu.dma_semaphore, #tpu.memory_space<semaphore_mem>>) src(%dma_wait3A_17 : memref<16x1024xf32, #tpu.memory_space<hbm>>) dst(%dma_wait3A_14 : memref<16x1024xf32, #tpu.memory_space<hbm>>)
    %dma_wait3A_18 = arith.constant 0 : i32
    %dma_wait3A_19 = tpu.memref_slice %arg6[%mul3A_2, %dma_wait3A_18] : memref<65536x1024xf32, #tpu.memory_space<hbm>> -> memref<16x1024xf32, #tpu.memory_space<hbm>>
    %dma_wait3A_20 = arith.constant 0 : i32
    %dma_wait3A_21 = arith.constant 0 : i32
    %dma_wait3A_22 = tpu.memref_slice %arg2[%dma_wait3A_20, %dma_wait3A_21] : memref<34x1024xf32, #tpu.memory_space<hbm>> -> memref<16x1024xf32, #tpu.memory_space<hbm>>
    tpu.wait_dma2 semaphore(%arg12 : memref<!tpu.dma_semaphore, #tpu.memory_space<semaphore_mem>>) src(%dma_wait3A_22 : memref<16x1024xf32, #tpu.memory_space<hbm>>) dst(%dma_wait3A_19 : memref<16x1024xf32, #tpu.memory_space<hbm>>)
    %dma_wait3A_23 = arith.constant 0 : i32
    %dma_wait3A_24 = tpu.memref_slice %arg6[%mul3A_2, %dma_wait3A_23] : memref<65536x1024xf32, #tpu.memory_space<hbm>> -> memref<16x1024xf32, #tpu.memory_space<hbm>>
    %dma_wait3A_25 = arith.constant 0 : i32
    %dma_wait3A_26 = arith.constant 0 : i32
    %dma_wait3A_27 = tpu.memref_slice %arg2[%dma_wait3A_25, %dma_wait3A_26] : memref<34x1024xf32, #tpu.memory_space<hbm>> -> memref<16x1024xf32, #tpu.memory_space<hbm>>
    tpu.wait_dma2 semaphore(%arg12 : memref<!tpu.dma_semaphore, #tpu.memory_space<semaphore_mem>>) src(%dma_wait3A_27 : memref<16x1024xf32, #tpu.memory_space<hbm>>) dst(%dma_wait3A_24 : memref<16x1024xf32, #tpu.memory_space<hbm>>)
    %dma_wait3A_28 = arith.constant 0 : i32
    %dma_wait3A_29 = tpu.memref_slice %arg6[%mul3A_2, %dma_wait3A_28] : memref<65536x1024xf32, #tpu.memory_space<hbm>> -> memref<16x1024xf32, #tpu.memory_space<hbm>>
    %dma_wait3A_30 = arith.constant 0 : i32
    %dma_wait3A_31 = arith.constant 0 : i32
    %dma_wait3A_32 = tpu.memref_slice %arg2[%dma_wait3A_30, %dma_wait3A_31] : memref<34x1024xf32, #tpu.memory_space<hbm>> -> memref<16x1024xf32, #tpu.memory_space<hbm>>
    tpu.wait_dma2 semaphore(%arg12 : memref<!tpu.dma_semaphore, #tpu.memory_space<semaphore_mem>>) src(%dma_wait3A_32 : memref<16x1024xf32, #tpu.memory_space<hbm>>) dst(%dma_wait3A_29 : memref<16x1024xf32, #tpu.memory_space<hbm>>)
    return
  }
}

</mosaic_0001>

<sc_bundles>
// kernel: kernel.3.cloned.1.call-start
scs
__scs_entry_jumppad:
0x0: {  	(pc) =	sbr.rel $0x88, $3  }
0x1: {  	(tag) =	ssettag $0x0;
	lr =	simm.s32 $0x1  }
0x2: {  	[smem:$0x3F9D] =	sst lr;
	_ =	strace $0xD0000000  }
0x3: {  	_ = 	snop  }
0x4: {  	_ = 	snop  }
0x5: {  	_ = 	snop  }
0x6: {  	_ = 	snop  }
0x7: {  	_ = 	snop  }
__scs_overlays_trampoline_lowered:
0x8: {  	[smem:$0x3FAC] =	sst s0  }
0x9: {  	[smem:$0x3FAD] =	sst s1  }
0xa: {  	[smem:$0x3FAE] =	sst s2  }
0xb: {  	[smem:$0x3FAF] =	sst s3  }
0xc: {  	[smem:$0x3FB0] =	sst s4  }
0xd: {  	[smem:$0x3FB1] =	sst s5  }
0xe: {  	[smem:$0x3FB2] =	sst s6  }
0xf: {  	[smem:$0x3FB3] =	sst s7  }
0x10: {  	[smem:$0x3FB4] =	sst s8  }
0x11: {  	[smem:$0x3FB5] =	sst s9;
	s0 =	simm.s32 @!p0 $0x0  }
0x12: {  	s1 =	sld [smem:$0x3F9B];
	s0 =	simm.s32 @p0 $0x1  }
0x13: {  	[smem:$0x3FB6] =	sst s0;
	s0 =	simm.s32 @!p1 $0x0  }
0x14: {  	s2 =	sld [smem:$0x3F9A];
	s0 =	simm.s32 @p1 $0x1  }
0x15: {  	[smem:$0x3FB7] =	sst s0;
	s0 =	simm.s32 @!p2 $0x0  }
0x16: {  	s3 =	sld [smem:$0x3FDB];
	s0 =	simm.s32 @p2 $0x1  }
0x17: {  	s4 =	simm.s32 $0x1BF5;
	[smem:$0x3FB9] =	sst s0  }
0x18: {  	s0 =	sld [smem:$0x3F9C];
	_ =	swait.ge [sflag:s4], $0x0  }
0x19: {  	s7 =	sld [smem:$0x3F9D]  }
0x1a: {  	s8 =	sadd.s32 $0xFFFFE003, lr  }
0x1b: {  	s9 =	sadd.s32 $0xFFFFFEF7, lr;
	s5 =	simm.s32 $0xFFFFFFFF;
	p2 =	slt.u32 s8, $0xFFFFF086  }
0x1c: {  	p1 =	slt.u32 s9, $0xF7A;
	s5 =	simm.s32 @!p2 $0x0  }
0x1d: {  	s5 =	simm.s32 @p1 $0x1;
	p0 =	seq.s32 s7, s2  }
0x1e: {  	s7 =	smul.u32 @!p0 $0xF7A, s2;
	p2 =	seq.s32 @!p0 s5, $0x0  }
0x1f: {  	s9 =	smul.u32 $0xF7A, s1;
	s8 =	simm.s32 @!p0 $0x1BF5;
	p2 =	por !p2, p0  }
0x20: {  	[sflag:s8] =	ssyncset.s32 @!p0 $0xFFFFF086;
	s6 =	sadd.s32 @!p0 s3, s7;
	s7 =	simm.s32 @!p0 $0x108  }
0x21: {  	s3 =	sadd.s32 s3, s9;
	s6 =	sadd.s32 @!p0 $0x88, s6;
	s7 =	simm.s32 @p2 $0x1082  }
0x22: {  	[simem:s7], [sflag:s8] =	dma.local @!p0 [hbm:s6], $0xF7A  }
0x23: {  	s9 =	sor.u32 $0xD0000000, s2;
	s6 =	simm.s32 $0x108;
	_ =	swait.ge @!p0 [sflag:s8], $0x0  }
0x24: {  	s3 =	sadd.s32 $0x88, s3;
	s6 =	simm.s32 @!p1 $0x1082;
	[sflag:s4] =	ssyncset.s32 $0xFFFFF086  }
0x25: {  	[simem:s6], [sflag:s4] =	dma.local [hbm:s3], $0xF7A  }
0x26: {  	[smem:$0x3F9D] =	sst s1;
	(tag) =	ssettag s2;
	_ =	strace s9  }
0x27: {  	s1 =	sld [smem:$0x3FAD]  }
0x28: {  	s2 =	sld [smem:$0x3FAE]  }
0x29: {  	s4 =	sld [smem:$0x3FB0]  }
0x2a: {  	p0 =	seq.s32 s5, $0x0;
	s5 =	sld [smem:$0x3FB1]  }
0x2b: {  	s6 =	sld [smem:$0x3FB2]  }
0x2c: {  	s7 =	sld [smem:$0x3FB3]  }
0x2d: {  	s3 =	simm.s32 $0x108;
	s8 =	sld [smem:$0x3FB4]  }
0x2e: {  	s3 =	simm.s32 @!p0 $0x1082;
	s9 =	sld [smem:$0x3FB5]  }
0x2f: {  	lr =	sadd.s32 s0, s3;
	s0 =	sld [smem:$0x3FAC]  }
0x30: {  	s3 =	sld [smem:$0x3FAF]  }
0x31: {  	[smem:$0x3FB8] =	sst s10  }
0x32: {  	s10 =	sld [smem:$0x3FB6];
	_ =	sdelay $0x3  }
0x33: {  	p0 =	seq.s32 s10, $0x1;
	s10 =	sld [smem:$0x3FB8];
	_ =	sdelay $0x3  }
0x34: {  	[smem:$0x3FB8] =	sst s10  }
0x35: {  	s10 =	sld [smem:$0x3FB7];
	_ =	sdelay $0x3  }
0x36: {  	p1 =	seq.s32 s10, $0x1;
	s10 =	sld [smem:$0x3FB8];
	_ =	sdelay $0x3  }
0x37: {  	[smem:$0x3FB8] =	sst s10  }
0x38: {  	s10 =	sld [smem:$0x3FB9]  }
0x39: {  	_ = 	snop;
	(pc) =	sbr.ind lr, $3  }
0x3a: {  	_ = 	snop  }
0x3b: {  	_ = 	snop  }
0x3c: {  	p2 =	seq.s32 s10, $0x1;
	s10 =	sld [smem:$0x3FB8]  }
0x3d: {  	_ =	shalt  }
0x3e: {  	_ =	shalt  }
0x3f: {  	_ =	shalt  }
0x40: {  	_ =	shalt  }
0x41: {  	_ =	shalt  }
0x42: {  	_ =	shalt  }
0x43: {  	_ =	shalt  }
0x44: {  	_ =	shalt  }
0x45: {  	_ =	shalt  }
0x46: {  	_ =	shalt  }
0x47: {  	_ =	shalt  }
0x48: {  	_ =	shalt  }
0x49: {  	_ =	shalt  }
0x4a: {  	_ =	shalt  }
0x4b: {  	_ =	shalt  }
0x4c: {  	_ =	shalt  }
0x4d: {  	_ =	shalt  }
0x4e: {  	_ =	shalt  }
0x4f: {  	_ =	shalt  }
0x50: {  	_ =	shalt  }
0x51: {  	_ =	shalt  }
0x52: {  	_ =	shalt  }
0x53: {  	_ =	shalt  }
0x54: {  	_ =	shalt  }
0x55: {  	_ =	shalt  }
0x56: {  	_ =	shalt  }
0x57: {  	_ =	shalt  }
0x58: {  	_ =	shalt  }
0x59: {  	_ =	shalt  }
0x5a: {  	_ =	shalt  }
0x5b: {  	_ =	shalt  }
0x5c: {  	_ =	shalt  }
0x5d: {  	_ =	shalt  }
0x5e: {  	_ =	shalt  }
0x5f: {  	_ =	shalt  }
0x60: {  	_ =	shalt  }
0x61: {  	_ =	shalt  }
0x62: {  	_ =	shalt  }
0x63: {  	_ =	shalt  }
0x64: {  	_ =	shalt  }
0x65: {  	_ =	shalt  }
0x66: {  	_ =	shalt  }
0x67: {  	_ =	shalt  }
0x68: {  	_ =	shalt  }
0x69: {  	_ =	shalt  }
0x6a: {  	_ =	shalt  }
0x6b: {  	_ =	shalt  }
0x6c: {  	_ =	shalt  }
0x6d: {  	_ =	shalt  }
0x6e: {  	_ =	shalt  }
0x6f: {  	_ =	shalt  }
0x70: {  	_ =	shalt  }
0x71: {  	_ =	shalt  }
0x72: {  	_ =	shalt  }
0x73: {  	_ =	shalt  }
0x74: {  	_ =	shalt  }
0x75: {  	_ =	shalt  }
0x76: {  	_ =	shalt  }
0x77: {  	_ =	shalt  }
0x78: {  	_ =	shalt  }
0x79: {  	_ =	shalt  }
0x7a: {  	_ =	shalt  }
0x7b: {  	_ =	shalt  }
0x7c: {  	_ =	shalt  }
0x7d: {  	_ =	shalt  }
0x7e: {  	_ =	shalt  }
0x7f: {  	_ =	shalt  }
0x80: {  	_ =	shalt  }
0x81: {  	_ =	shalt  }
0x82: {  	_ =	shalt  }
0x83: {  	_ =	shalt  }
0x84: {  	_ =	shalt  }
0x85: {  	_ =	shalt  }
0x86: {  	_ =	shalt  }
0x87: {  	_ =	shalt  }
.Lfunc_end0:
.L_simem_size_0:
called_computation_lowered:
.L_overlay_start_0:
0x88: {  	s2 =	sld [smem:$0x3FD9]  }
0x89: {  	s3 =	sld [smem:$0x3FFE];
	_ =	sdelay $0x1  }
0x8a: {  	s1 =	srdreg.scid  }
0x8b: {  	s0 =	sand.u32 $0x1, s1  }
0x8c: {  	s17 =	sshll.u32 s0, $0xA;
	s2 =	sadd.s32 s3, s2  }
0x8d: {  	s2 =	sadd.s32 s2, s17  }
0x8e: {  	[smem:$0x3FC4] =	sst s2  }
0x8f: {  	_ = 	snop  }
0x90: {  	s2 =	sld [smem:$0x3FD0];
	(tm) =	ssettm $0x1  }
0x91: {  	s18 =	sld [smem:$0x3FFB];
	_ =	sdelay $0x3  }
0x92: {  	_ =	strace s18  }
0x93: {  	s3 =	sld [smem:$0x3FFC];
	_ =	sdelay $0x3  }
0x94: {  	_ =	strace s3  }
0x95: {  	s3 =	sld [smem:$0x3FFD];
	_ =	sdelay $0x3  }
0x96: {  	_ =	strace s3  }
0x97: {  	_ =	strace $0x8FFFFFFF  }
0x98: {  	s19 =	sld [smem:$0x3FDB];
	_ =	sdelay $0x1  }
0x99: {  	s4 =	simm.s32 $_scs_section_size  }
0x9a: {  	s5 =	simm.s32 $_size__tile_overlayer_lowered;
	s6 =	simm.s32 $_tile_overlayer_lowered  }
0x9b: {  	s22 =	simm.s32 $0x1BFF;
	s21 =	sshll.u32 s6, $0x1;
	s3 =	sadd.s32 s4, s19  }
0x9c: {  	s7 =	simm.s32 $0x0;
	s20 =	sshll.u32 s5, $0x1;
	s5 =	sadd.s32 s21, s3  }
0x9d: {  	[timem:s7], [sflag:s22] =	dma.local [hbm:s5], s20  }
0x9e: {  	_ =	swait.ge [sflag:s22], s20  }
0x9f: {  	s4 =	ssub.s32 $0x0, s20;
	[sflag:s22] =	ssyncset.done $0x0  }
0xa0: {  	[sflag:s22] =	ssyncadd.s32 s4;
	_ =	sdelay $0x1  }
0xa1: {  	s23 =	simm.s32 $0x1B8B  }
0xa2: {  	_ =	swait.ge [sflag:s23], $0x1  }
0xa3: {  	[sflag:s23] =	ssyncset.done $0x0  }
0xa4: {  	s25 =	simm.s32 $0x1B8E;
	s24 =	sld [smem:$0x3FFE];
	[sflag:s23] =	ssyncadd.s32 $0xFFFFFFFF  }
0xa5: {  	s26 =	simm.s32 $execute0_lowered;
	[smem:$0x3FD2] =	sst s25  }
0xa6: {  	s5 =	sshll.u32 s26, $0x1;
	_ =	strace $0x80000046;
	[dreg:$0x1] =	wrdreg $0xFFFFFFFF  }
0xa7: {  	s28 =	simm.s32 $_size_execute0_lowered;
	s3 =	sadd.s32 s3, s5;
	[dreg:$0x0] =	wrdreg $0x0  }
0xa8: {  	s5 =	sshll.u32 s28, $0x1;
	[dreg:$0x2] =	wrdreg s3  }
0xa9: {  	[dreg:$0x3] =	wrdreg s5  }
0xaa: {  	[dreg:$0x4] =	wrdreg $0xC0  }
0xab: {  	_ =	task [dreg:s7], $0x5FFFF  }
0xac: {  	[dreg:$0x1] =	wrdreg $0xFFFFFFFF  }
0xad: {  	[dreg:$0x0] =	wrdreg $0x60  }
0xae: {  	[dreg:$0x2] =	wrdreg s24  }
0xaf: {  	[dreg:$0x3] =	wrdreg s2  }
0xb0: {  	[dreg:$0x4] =	wrdreg $0x9  }
0xb1: {  	_ =	task.clear_ibuf [dreg:s7], $0x5FFFF;
	_ =	strace $0x90000046  }
0xb2: {  	s29 =	simm.s32 $0x9;
	_ =	strace $0x80000048  }
0xb3: {  	_ =	swait.ge [sflag:s29], $0x1  }
0xb4: {  	[sflag:s29] =	ssyncadd.s32 $0xFFFFFFFF  }
0xb5: {  	_ =	strace $0x90000048  }
0xb6: {  	_ =	sfence  }
0xb7: {  	s30 =	sld [smem:$0x0];
	_ =	sdelay $0x2  }
0xb8: {  	s31 =	sshll.u32 s1, $0xD;
	s1 =	sshrl.u32 s1, $0x2  }
0xb9: {  	s3 =	sand.u32 $0x4000, s31;
	s1 =	sadd.s32 s1, s30  }
0xba: {  	s0 =	sor.u32 s3, s0;
	s1 =	sshll.u32 s1, $0x11  }
0xbb: {  	s0 =	sor.u32 s1, s0  }
0xbc: {  	s0 =	sadd.s32 $0x8F2B, s0  }
0xbd: {  	[sflag:s0] =	ssyncadd.remote.s32 $0x1  }
0xbe: {  	_ =	sfence.sel $0xFFFF  }
0xbf: {  	[dreg:$0x0] =	wrdreg $0xFFFFFFFF;
	(pc) =	sbr.abs _section_cstart, $3  }
0xc0: {  	[dreg:$0x1] =	wrdreg $0xFFFFFFFF  }
0xc1: {  	_ =	task.clear_ibuf [dreg:s7], $0x2FFFF;
	_ =	strace $0x9FFFFFFF  }
0xc2: {  	(tm) =	ssettm $0x7FFFFFFF  }
0xc3: {  	_ =	shalt  }
tec
execute0_lowered:
.L_overlay_start_1:
0x0: {  	(tag) =	ssettag $0x1  }
0x1: {  	s4 =	rddreg [dreg:$0x0]  }
0x2: {  	s5 =	rddreg [dreg:$0x1]  }
0x3: {  	s0 =	rddreg [dreg:$0x2]  }
0x4: {  	s3 =	srdreg.scid;
	s2 =	simm.s32 $0x0;
	s1 =	stileid.u32  }
0x5: {  	s10 =	simm.s32 $0x800;
	s11 =	simm.s32 $0x1000;
	s12 =	simm.s32 $0x1  }
0x6: {  	s13 =	simm.s32 $0x0;
	s6 =	sand.u32 $0x1, s3;
	[smem:$0x7FF] =	sst s2  }
0x7: {  	s30 =	sshll.u32 s1, $0xC;
	s3 =	sadd.s32 $0x6400, s4;
	s9 =	sshll.u32 s1, $0x13  }
0x8: {  	s7 =	sshll.u32 s6, $0xB;
	_ =	strace $0x80000047;
	s8 =	ssub.s32 $0x2, s6  }
0x9: {  	s9 =	sadd.s32 s9, s5;
	s6 =	sshll.u32 s6, $0x12;
	s7 =	sor.u32 s7, s30  }
0xa: {  	s31 =	sshrl.u32 s8, $0x1;
	s9 =	sadd.s32 s6, s9;
	s7 =	sshrl.u32 s7, $0x3  }
0xb: {  	s8 =	ssub.s32 s8, s31;
	[dreg:$0x3] =	wrdreg s9;
	s7 =	sadd.s32 s7, s4  }
0xc: {  	s9 =	simm.s32 $0x2;
	s4 =	sadd.s32 $0x400, s7;
	s5 =	sadd.s32 $0x4400, s7  }
0xd: {  	s6 =	sadd.s32 $0x2400, s7;
	s7 =	smax.u32 s8, $0x1;
	s8 =	simm.s32 $0x2000  }
.LBB2_1:
0xe: {  	[tilespmem:s8], [sflag:$0x2] =	stream.linear.gather [hbm4b:s3+s2], $0xA000, $0x38;
	[tilespmem:$0xC000] =	vst v63  }
0xf: {  	_ =	swait.ge [sflag:s9], $0xA000  }
0x10: {  	[sflag:s9] =	ssyncset.done $0x0  }
0x11: {  	[sflag:s9] =	ssyncadd.s32 $0xFFFF6000  }
0x12: {  	[tilespmem:s2], [sflag:$0x2] =	stream.linear.gather [hbm4b:s4+s2], $0x800, $0x38;
	[tilespmem:$0xC000] =	vst v63  }
0x13: {  	_ =	swait.ge [sflag:s9], $0x800  }
0x14: {  	[sflag:s9] =	ssyncset.done $0x0  }
0x15: {  	[sflag:s9] =	ssyncadd.s32 $0xFFFFF800  }
0x16: {  	[tilespmem:s10], [sflag:$0x2] =	stream.linear.gather [hbm4b:s5+s2], $0x800, $0x38;
	[tilespmem:$0xC000] =	vst v63  }
0x17: {  	_ =	swait.ge [sflag:s9], $0x800  }
0x18: {  	[sflag:s9] =	ssyncset.done $0x0  }
0x19: {  	[sflag:s9] =	ssyncadd.s32 $0xFFFFF800  }
0x1a: {  	[tilespmem:s11], [sflag:$0x2] =	stream.linear.gather [hbm4b:s6+s2], $0x800, $0x38;
	[tilespmem:$0xC000] =	vst v63  }
0x1b: {  	_ =	swait.ge [sflag:s9], $0x800  }
0x1c: {  	[sflag:s9] =	ssyncset.done $0x0  }
0x1d: {  	s14 =	simm.s32 $0x0;
	[sflag:s9] =	ssyncadd.s32 $0xFFFFF800  }
0x1e: {  	v0 =	vld [tilespmem:s14+$0x0]  }
0x1f: {  	v1 =	vld [tilespmem:s14+$0x800]  }
0x20: {  	v2 =	vld [tilespmem:s14+$0x1000]  }
0x21: {  	s15 =	simm.s32 $0x40  }
.LBB2_2:
0x22: {  	p0 =	sne.s32 s15, $0x1FC0  }
.Ltmp0:
0x23: {  	s16 =	sshra.s32 s15, $0x2;
	v3 =	vmov v0;
	(pc) =	sbr.rel @p0 .LBB2_2-.Ltmp0, $4  }
0x24: {  	s15 =	sadd.s32 $0x40, s15;
	v0 =	vld [tilespmem:s16+$0x0];
	vm0 =	veq.s32 v1, $0x0  }
0x25: {  	v1 =	vld [tilespmem:s16+$0x800];
	v3 =	vnsel vm0, $0x20, v3;
	vm0 =	veq.s32 v2, $0x0  }
0x26: {  	v2 =	vld [tilespmem:s16+$0x1000];
	v3 =	vnsel vm0, $0x21, v3  }
0x27: {  	[tilespmem:s14+$0x1800] =	vst v3;
	s14 =	smov.u32 s16  }
0x28: {  	_ =	sdelay $0x1  }
0x29: {  	vm0 =	veq.s32 v1, $0x0  }
0x2a: {  	v0 =	vnsel vm0, $0x20, v0;
	vm15 =	veq.s32 v2, $0x0  }
0x2b: {  	v0 =	vnsel vm15, $0x21, v0  }
0x2c: {  	s16 =	simm.s32 $0x1800;
	[tilespmem:s14+$0x1800] =	vst v0  }
0x2d: {  	v0 =	vld [tilespmem:s16+$0x0];
	_ =	sdelay $0x4  }
0x2e: {  	(v2sf) =	vpush v0, $0x0;
	_ =	sdelay $0x7  }
0x2f: {  	(v2sf) =	vpush v0, $0x1;
	_ =	sdelay $0x6  }
0x30: {  	s17 =	spop (v2sf)  }
0x31: {  	s16 =	sshll.u32 s17, $0xA;
	s14 =	sshll.u32 s17, $0x7  }
0x32: {  	s16 =	sand.u32 $0xFFFFE000, s16;
	s14 =	sand.u32 $0x380, s14  }
0x33: {  	s15 =	rddreg [dreg:$0x3];
	s14 =	sor.u32 s14, s16  }
0x34: {  	s17 =	sadd.s32 $0x0, s15;
	s18 =	sadd.s32 $0x2000, s14  }
0x35: {  	[hbm4b:s17+s2] =	stream.linear.scatter [tilespmem:s18], [sflag:$0x1], $0x80, $0x38;
	[tilespmem:$0xC000] =	vst v63  }
0x36: {  	s20 =	sadd.s32 $0x80, s17;
	s19 =	sadd.s32 $0x2400, s14  }
0x37: {  	[hbm4b:s20+s2] =	stream.linear.scatter [tilespmem:s19], [sflag:$0x1], $0x80, $0x38;
	[tilespmem:$0xC000] =	vst v63  }
0x38: {  	s21 =	spop (v2sf);
	s22 =	sadd.s32 $0x2800, s14;
	s18 =	sadd.s32 $0x100, s17  }
0x39: {  	(v2sf) =	vpush v0, $0x2;
	[hbm4b:s18+s2] =	stream.linear.scatter [tilespmem:s22], [sflag:$0x1], $0x80, $0x38;
	[tilespmem:$0xC000] =	vst v63  }
0x3a: {  	s23 =	sshll.u32 s21, $0xA;
	s24 =	sadd.s32 $0x2C00, s14;
	s19 =	sadd.s32 $0x180, s17  }
0x3b: {  	[hbm4b:s19+s2] =	stream.linear.scatter [tilespmem:s24], [sflag:$0x1], $0x80, $0x38;
	[tilespmem:$0xC000] =	vst v63  }
0x3c: {  	s26 =	sadd.s32 $0x200, s17;
	s15 =	sshll.u32 s21, $0x7;
	s25 =	sadd.s32 $0x3000, s14  }
0x3d: {  	[hbm4b:s26+s2] =	stream.linear.scatter [tilespmem:s25], [sflag:$0x1], $0x80, $0x38;
	[tilespmem:$0xC000] =	vst v63  }
0x3e: {  	s29 =	sadd.s32 $0x280, s17;
	s31 =	sadd.s32 $0x300, s17;
	s28 =	sadd.s32 $0x3400, s14  }
0x3f: {  	[hbm4b:s29+s2] =	stream.linear.scatter [tilespmem:s28], [sflag:$0x1], $0x80, $0x38;
	[tilespmem:$0xC000] =	vst v63  }
0x40: {  	s16 =	sand.u32 $0xFFFFE000, s23;
	s15 =	sand.u32 $0x380, s15;
	s30 =	sadd.s32 $0x3800, s14  }
0x41: {  	[hbm4b:s31+s2] =	stream.linear.scatter [tilespmem:s30], [sflag:$0x1], $0x80, $0x38;
	[tilespmem:$0xC000] =	vst v63  }
0x42: {  	s15 =	sor.u32 s15, s16;
	s14 =	sadd.s32 $0x3C00, s14;
	s20 =	sadd.s32 $0x380, s17  }
0x43: {  	[hbm4b:s20+s2] =	stream.linear.scatter [tilespmem:s14], [sflag:$0x1], $0x80, $0x38;
	[tilespmem:$0xC000] =	vst v63  }
0x44: {  	s21 =	sadd.s32 $0x10, s17;
	s22 =	sadd.s32 $0x2000, s15  }
0x45: {  	[hbm4b:s21+s2] =	stream.linear.scatter [tilespmem:s22], [sflag:$0x1], $0x80, $0x38;
	[tilespmem:$0xC000] =	vst v63  }
0x46: {  	s23 =	sadd.s32 $0x2400, s15;
	s24 =	sadd.s32 $0x90, s17  }
0x47: {  	[hbm4b:s24+s2] =	stream.linear.scatter [tilespmem:s23], [sflag:$0x1], $0x80, $0x38;
	[tilespmem:$0xC000] =	vst v63  }
0x48: {  	s26 =	sadd.s32 $0x2800, s15;
	s25 =	spop (v2sf);
	s28 =	sadd.s32 $0x110, s17  }
0x49: {  	(v2sf) =	vpush v0, $0x3;
	[hbm4b:s28+s2] =	stream.linear.scatter [tilespmem:s26], [sflag:$0x1], $0x80, $0x38;
	[tilespmem:$0xC000] =	vst v63  }
0x4a: {  	s29 =	sshll.u32 s25, $0xA;
	s30 =	sadd.s32 $0x190, s17;
	s31 =	sadd.s32 $0x2C00, s15  }
0x4b: {  	[hbm4b:s30+s2] =	stream.linear.scatter [tilespmem:s31], [sflag:$0x1], $0x80, $0x38;
	[tilespmem:$0xC000] =	vst v63  }
0x4c: {  	s19 =	sadd.s32 $0x210, s17;
	s16 =	sand.u32 $0xFFFFE000, s29;
	s20 =	sadd.s32 $0x3000, s15  }
0x4d: {  	[hbm4b:s19+s2] =	stream.linear.scatter [tilespmem:s20], [sflag:$0x1], $0x80, $0x38;
	[tilespmem:$0xC000] =	vst v63  }
0x4e: {  	s14 =	sshll.u32 s25, $0x7;
	s21 =	sadd.s32 $0x290, s17;
	s22 =	sadd.s32 $0x3400, s15  }
0x4f: {  	[hbm4b:s21+s2] =	stream.linear.scatter [tilespmem:s22], [sflag:$0x1], $0x80, $0x38;
	[tilespmem:$0xC000] =	vst v63  }
0x50: {  	s14 =	sand.u32 $0x380, s14;
	s23 =	sadd.s32 $0x3800, s15;
	s24 =	sadd.s32 $0x310, s17  }
0x51: {  	[hbm4b:s24+s2] =	stream.linear.scatter [tilespmem:s23], [sflag:$0x1], $0x80, $0x38;
	[tilespmem:$0xC000] =	vst v63  }
0x52: {  	s25 =	sadd.s32 $0x390, s17;
	s14 =	sor.u32 s14, s16;
	s15 =	sadd.s32 $0x3C00, s15  }
0x53: {  	[hbm4b:s25+s2] =	stream.linear.scatter [tilespmem:s15], [sflag:$0x1], $0x80, $0x38;
	[tilespmem:$0xC000] =	vst v63  }
0x54: {  	s26 =	sadd.s32 $0x20, s17;
	s28 =	sadd.s32 $0x2000, s14  }
0x55: {  	[hbm4b:s26+s2] =	stream.linear.scatter [tilespmem:s28], [sflag:$0x1], $0x80, $0x38;
	[tilespmem:$0xC000] =	vst v63  }
0x56: {  	s29 =	sadd.s32 $0x2400, s14;
	s30 =	sadd.s32 $0xA0, s17  }
0x57: {  	[hbm4b:s30+s2] =	stream.linear.scatter [tilespmem:s29], [sflag:$0x1], $0x80, $0x38;
	[tilespmem:$0xC000] =	vst v63  }
0x58: {  	s20 =	sadd.s32 $0x2800, s14;
	s31 =	spop (v2sf);
	s21 =	sadd.s32 $0x120, s17  }
0x59: {  	(v2sf) =	vpush v0, $0x4;
	[hbm4b:s21+s2] =	stream.linear.scatter [tilespmem:s20], [sflag:$0x1], $0x80, $0x38;
	[tilespmem:$0xC000] =	vst v63  }
0x5a: {  	s22 =	sshll.u32 s31, $0xA;
	s23 =	sadd.s32 $0x2C00, s14;
	s24 =	sadd.s32 $0x1A0, s17  }
0x5b: {  	[hbm4b:s24+s2] =	stream.linear.scatter [tilespmem:s23], [sflag:$0x1], $0x80, $0x38;
	[tilespmem:$0xC000] =	vst v63  }
0x5c: {  	s16 =	sand.u32 $0xFFFFE000, s22;
	s25 =	sadd.s32 $0x3000, s14;
	s26 =	sadd.s32 $0x220, s17  }
0x5d: {  	[hbm4b:s26+s2] =	stream.linear.scatter [tilespmem:s25], [sflag:$0x1], $0x80, $0x38;
	[tilespmem:$0xC000] =	vst v63  }
0x5e: {  	s15 =	sshll.u32 s31, $0x7;
	s28 =	sadd.s32 $0x2A0, s17;
	s29 =	sadd.s32 $0x3400, s14  }
0x5f: {  	[hbm4b:s28+s2] =	stream.linear.scatter [tilespmem:s29], [sflag:$0x1], $0x80, $0x38;
	[tilespmem:$0xC000] =	vst v63  }
0x60: {  	s31 =	sadd.s32 $0x3800, s14;
	s15 =	sand.u32 $0x380, s15;
	s30 =	sadd.s32 $0x320, s17  }
0x61: {  	[hbm4b:s30+s2] =	stream.linear.scatter [tilespmem:s31], [sflag:$0x1], $0x80, $0x38;
	[tilespmem:$0xC000] =	vst v63  }
0x62: {  	s15 =	sor.u32 s15, s16;
	s14 =	sadd.s32 $0x3C00, s14;
	s20 =	sadd.s32 $0x3A0, s17  }
0x63: {  	[hbm4b:s20+s2] =	stream.linear.scatter [tilespmem:s14], [sflag:$0x1], $0x80, $0x38;
	[tilespmem:$0xC000] =	vst v63  }
0x64: {  	s22 =	sadd.s32 $0x2000, s15;
	s21 =	sadd.s32 $0x30, s17  }
0x65: {  	[hbm4b:s21+s2] =	stream.linear.scatter [tilespmem:s22], [sflag:$0x1], $0x80, $0x38;
	[tilespmem:$0xC000] =	vst v63  }
0x66: {  	s23 =	sadd.s32 $0x2400, s15;
	s24 =	sadd.s32 $0xB0, s17  }
0x67: {  	[hbm4b:s24+s2] =	stream.linear.scatter [tilespmem:s23], [sflag:$0x1], $0x80, $0x38;
	[tilespmem:$0xC000] =	vst v63  }
0x68: {  	s25 =	spop (v2sf);
	s26 =	sadd.s32 $0x2800, s15;
	s28 =	sadd.s32 $0x130, s17  }
0x69: {  	(v2sf) =	vpush v0, $0x5;
	[hbm4b:s28+s2] =	stream.linear.scatter [tilespmem:s26], [sflag:$0x1], $0x80, $0x38;
	[tilespmem:$0xC000] =	vst v63  }
0x6a: {  	s29 =	sshll.u32 s25, $0xA;
	s30 =	sadd.s32 $0x2C00, s15;
	s31 =	sadd.s32 $0x1B0, s17  }
0x6b: {  	[hbm4b:s31+s2] =	stream.linear.scatter [tilespmem:s30], [sflag:$0x1], $0x80, $0x38;
	[tilespmem:$0xC000] =	vst v63  }
0x6c: {  	s19 =	sadd.s32 $0x3000, s15;
	s16 =	sand.u32 $0xFFFFE000, s29;
	s20 =	sadd.s32 $0x230, s17  }
0x6d: {  	[hbm4b:s20+s2] =	stream.linear.scatter [tilespmem:s19], [sflag:$0x1], $0x80, $0x38;
	[tilespmem:$0xC000] =	vst v63  }
0x6e: {  	s14 =	sshll.u32 s25, $0x7;
	s21 =	sadd.s32 $0x3400, s15;
	s22 =	sadd.s32 $0x2B0, s17  }
0x6f: {  	[hbm4b:s22+s2] =	stream.linear.scatter [tilespmem:s21], [sflag:$0x1], $0x80, $0x38;
	[tilespmem:$0xC000] =	vst v63  }
0x70: {  	s14 =	sand.u32 $0x380, s14;
	s23 =	sadd.s32 $0x3800, s15;
	s24 =	sadd.s32 $0x330, s17  }
0x71: {  	[hbm4b:s24+s2] =	stream.linear.scatter [tilespmem:s23], [sflag:$0x1], $0x80, $0x38;
	[tilespmem:$0xC000] =	vst v63  }
0x72: {  	s25 =	sadd.s32 $0x3B0, s17;
	s14 =	sor.u32 s14, s16;
	s15 =	sadd.s32 $0x3C00, s15  }
0x73: {  	[hbm4b:s25+s2] =	stream.linear.scatter [tilespmem:s15], [sflag:$0x1], $0x80, $0x38;
	[tilespmem:$0xC000] =	vst v63  }
0x74: {  	s26 =	sadd.s32 $0x40, s17;
	s28 =	sadd.s32 $0x2000, s14  }
0x75: {  	[hbm4b:s26+s2] =	stream.linear.scatter [tilespmem:s28], [sflag:$0x1], $0x80, $0x38;
	[tilespmem:$0xC000] =	vst v63  }
0x76: {  	s29 =	sadd.s32 $0x2400, s14;
	s30 =	sadd.s32 $0xC0, s17  }
0x77: {  	[hbm4b:s30+s2] =	stream.linear.scatter [tilespmem:s29], [sflag:$0x1], $0x80, $0x38;
	[tilespmem:$0xC000] =	vst v63  }
0x78: {  	s31 =	spop (v2sf);
	s20 =	sadd.s32 $0x2800, s14;
	s21 =	sadd.s32 $0x140, s17  }
0x79: {  	(v2sf) =	vpush v0, $0x6;
	[hbm4b:s21+s2] =	stream.linear.scatter [tilespmem:s20], [sflag:$0x1], $0x80, $0x38;
	[tilespmem:$0xC000] =	vst v63  }
0x7a: {  	s22 =	sshll.u32 s31, $0xA;
	s23 =	sadd.s32 $0x2C00, s14;
	s24 =	sadd.s32 $0x1C0, s17  }
0x7b: {  	[hbm4b:s24+s2] =	stream.linear.scatter [tilespmem:s23], [sflag:$0x1], $0x80, $0x38;
	[tilespmem:$0xC000] =	vst v63  }
0x7c: {  	s16 =	sand.u32 $0xFFFFE000, s22;
	s25 =	sadd.s32 $0x3000, s14;
	s26 =	sadd.s32 $0x240, s17  }
0x7d: {  	[hbm4b:s26+s2] =	stream.linear.scatter [tilespmem:s25], [sflag:$0x1], $0x80, $0x38;
	[tilespmem:$0xC000] =	vst v63  }
0x7e: {  	s15 =	sshll.u32 s31, $0x7;
	s28 =	sadd.s32 $0x3400, s14;
	s29 =	sadd.s32 $0x2C0, s17  }
0x7f: {  	[hbm4b:s29+s2] =	stream.linear.scatter [tilespmem:s28], [sflag:$0x1], $0x80, $0x38;
	[tilespmem:$0xC000] =	vst v63  }
0x80: {  	s31 =	sadd.s32 $0x340, s17;
	s15 =	sand.u32 $0x380, s15;
	s30 =	sadd.s32 $0x3800, s14  }
0x81: {  	[hbm4b:s31+s2] =	stream.linear.scatter [tilespmem:s30], [sflag:$0x1], $0x80, $0x38;
	[tilespmem:$0xC000] =	vst v63  }
0x82: {  	s15 =	sor.u32 s15, s16;
	s14 =	sadd.s32 $0x3C00, s14;
	s20 =	sadd.s32 $0x3C0, s17  }
0x83: {  	[hbm4b:s20+s2] =	stream.linear.scatter [tilespmem:s14], [sflag:$0x1], $0x80, $0x38;
	[tilespmem:$0xC000] =	vst v63  }
0x84: {  	s22 =	sadd.s32 $0x2000, s15;
	s21 =	sadd.s32 $0x50, s17  }
0x85: {  	[hbm4b:s21+s2] =	stream.linear.scatter [tilespmem:s22], [sflag:$0x1], $0x80, $0x38;
	[tilespmem:$0xC000] =	vst v63  }
0x86: {  	s23 =	sadd.s32 $0x2400, s15;
	s24 =	sadd.s32 $0xD0, s17  }
0x87: {  	[hbm4b:s24+s2] =	stream.linear.scatter [tilespmem:s23], [sflag:$0x1], $0x80, $0x38;
	[tilespmem:$0xC000] =	vst v63  }
0x88: {  	s25 =	spop (v2sf);
	s26 =	sadd.s32 $0x2800, s15;
	s28 =	sadd.s32 $0x150, s17  }
0x89: {  	(v2sf) =	vpush v0, $0x7;
	[hbm4b:s28+s2] =	stream.linear.scatter [tilespmem:s26], [sflag:$0x1], $0x80, $0x38;
	[tilespmem:$0xC000] =	vst v63  }
0x8a: {  	s29 =	sshll.u32 s25, $0xA;
	s30 =	sadd.s32 $0x2C00, s15;
	s31 =	sadd.s32 $0x1D0, s17  }
0x8b: {  	[hbm4b:s31+s2] =	stream.linear.scatter [tilespmem:s30], [sflag:$0x1], $0x80, $0x38;
	[tilespmem:$0xC000] =	vst v63  }
0x8c: {  	s19 =	sadd.s32 $0x3000, s15;
	s16 =	sand.u32 $0xFFFFE000, s29;
	s20 =	sadd.s32 $0x250, s17  }
0x8d: {  	[hbm4b:s20+s2] =	stream.linear.scatter [tilespmem:s19], [sflag:$0x1], $0x80, $0x38;
	[tilespmem:$0xC000] =	vst v63  }
0x8e: {  	s14 =	sshll.u32 s25, $0x7;
	s21 =	sadd.s32 $0x3400, s15;
	s22 =	sadd.s32 $0x2D0, s17  }
0x8f: {  	[hbm4b:s22+s2] =	stream.linear.scatter [tilespmem:s21], [sflag:$0x1], $0x80, $0x38;
	[tilespmem:$0xC000] =	vst v63  }
0x90: {  	s14 =	sand.u32 $0x380, s14;
	s23 =	sadd.s32 $0x3800, s15;
	s24 =	sadd.s32 $0x350, s17  }
0x91: {  	[hbm4b:s24+s2] =	stream.linear.scatter [tilespmem:s23], [sflag:$0x1], $0x80, $0x38;
	[tilespmem:$0xC000] =	vst v63  }
0x92: {  	s25 =	sadd.s32 $0x3D0, s17;
	s14 =	sor.u32 s14, s16;
	s15 =	sadd.s32 $0x3C00, s15  }
0x93: {  	[hbm4b:s25+s2] =	stream.linear.scatter [tilespmem:s15], [sflag:$0x1], $0x80, $0x38;
	[tilespmem:$0xC000] =	vst v63  }
0x94: {  	s26 =	sadd.s32 $0x60, s17;
	s28 =	sadd.s32 $0x2000, s14  }
0x95: {  	[hbm4b:s26+s2] =	stream.linear.scatter [tilespmem:s28], [sflag:$0x1], $0x80, $0x38;
	[tilespmem:$0xC000] =	vst v63  }
0x96: {  	s29 =	sadd.s32 $0x2400, s14;
	s30 =	sadd.s32 $0xE0, s17  }
0x97: {  	[hbm4b:s30+s2] =	stream.linear.scatter [tilespmem:s29], [sflag:$0x1], $0x80, $0x38;
	[tilespmem:$0xC000] =	vst v63  }
0x98: {  	s31 =	spop (v2sf);
	s20 =	sadd.s32 $0x2800, s14;
	s21 =	sadd.s32 $0x160, s17  }
0x99: {  	(v2sf) =	vpush v0, $0x8;
	[hbm4b:s21+s2] =	stream.linear.scatter [tilespmem:s20], [sflag:$0x1], $0x80, $0x38;
	[tilespmem:$0xC000] =	vst v63  }
0x9a: {  	s22 =	sshll.u32 s31, $0xA;
	s23 =	sadd.s32 $0x2C00, s14;
	s24 =	sadd.s32 $0x1E0, s17  }
0x9b: {  	[hbm4b:s24+s2] =	stream.linear.scatter [tilespmem:s23], [sflag:$0x1], $0x80, $0x38;
	[tilespmem:$0xC000] =	vst v63  }
0x9c: {  	s16 =	sand.u32 $0xFFFFE000, s22;
	s25 =	sadd.s32 $0x3000, s14;
	s26 =	sadd.s32 $0x260, s17  }
0x9d: {  	[hbm4b:s26+s2] =	stream.linear.scatter [tilespmem:s25], [sflag:$0x1], $0x80, $0x38;
	[tilespmem:$0xC000] =	vst v63  }
0x9e: {  	s15 =	sshll.u32 s31, $0x7;
	s28 =	sadd.s32 $0x3400, s14;
	s29 =	sadd.s32 $0x2E0, s17  }
0x9f: {  	[hbm4b:s29+s2] =	stream.linear.scatter [tilespmem:s28], [sflag:$0x1], $0x80, $0x38;
	[tilespmem:$0xC000] =	vst v63  }
0xa0: {  	s31 =	sadd.s32 $0x360, s17;
	s15 =	sand.u32 $0x380, s15;
	s30 =	sadd.s32 $0x3800, s14  }
0xa1: {  	[hbm4b:s31+s2] =	stream.linear.scatter [tilespmem:s30], [sflag:$0x1], $0x80, $0x38;
	[tilespmem:$0xC000] =	vst v63  }
0xa2: {  	s15 =	sor.u32 s15, s16;
	s14 =	sadd.s32 $0x3C00, s14;
	s20 =	sadd.s32 $0x3E0, s17  }
0xa3: {  	[hbm4b:s20+s2] =	stream.linear.scatter [tilespmem:s14], [sflag:$0x1], $0x80, $0x38;
	[tilespmem:$0xC000] =	vst v63  }
0xa4: {  	s22 =	sadd.s32 $0x2000, s15;
	s21 =	sadd.s32 $0x70, s17  }
0xa5: {  	[hbm4b:s21+s2] =	stream.linear.scatter [tilespmem:s22], [sflag:$0x1], $0x80, $0x38;
	[tilespmem:$0xC000] =	vst v63  }
0xa6: {  	s23 =	sadd.s32 $0x2400, s15;
	s24 =	sadd.s32 $0xF0, s17  }
0xa7: {  	[hbm4b:s24+s2] =	stream.linear.scatter [tilespmem:s23], [sflag:$0x1], $0x80, $0x38;
	[tilespmem:$0xC000] =	vst v63  }
0xa8: {  	s25 =	spop (v2sf);
	s26 =	sadd.s32 $0x2800, s15;
	s28 =	sadd.s32 $0x170, s17  }
0xa9: {  	(v2sf) =	vpush v0, $0x9;
	[hbm4b:s28+s2] =	stream.linear.scatter [tilespmem:s26], [sflag:$0x1], $0x80, $0x38;
	[tilespmem:$0xC000] =	vst v63  }
0xaa: {  	s29 =	sshll.u32 s25, $0x7;
	s30 =	sadd.s32 $0x2C00, s15;
	s31 =	sadd.s32 $0x1F0, s17  }
0xab: {  	[hbm4b:s31+s2] =	stream.linear.scatter [tilespmem:s30], [sflag:$0x1], $0x80, $0x38;
	[tilespmem:$0xC000] =	vst v63  }
0xac: {  	s19 =	sadd.s32 $0x3000, s15;
	s16 =	sand.u32 $0x380, s29;
	s20 =	sadd.s32 $0x270, s17  }
0xad: {  	[hbm4b:s20+s2] =	stream.linear.scatter [tilespmem:s19], [sflag:$0x1], $0x80, $0x38;
	[tilespmem:$0xC000] =	vst v63  }
0xae: {  	s14 =	sshll.u32 s25, $0xA;
	s21 =	sadd.s32 $0x3400, s15;
	s22 =	sadd.s32 $0x2F0, s17  }
0xaf: {  	[hbm4b:s22+s2] =	stream.linear.scatter [tilespmem:s21], [sflag:$0x1], $0x80, $0x38;
	[tilespmem:$0xC000] =	vst v63  }
0xb0: {  	s14 =	sand.u32 $0xFFFFE000, s14;
	s23 =	sadd.s32 $0x3800, s15;
	s24 =	sadd.s32 $0x370, s17  }
0xb1: {  	[hbm4b:s24+s2] =	stream.linear.scatter [tilespmem:s23], [sflag:$0x1], $0x80, $0x38;
	[tilespmem:$0xC000] =	vst v63  }
0xb2: {  	s25 =	sadd.s32 $0x3F0, s17;
	s14 =	sor.u32 s16, s14;
	s15 =	sadd.s32 $0x3C00, s15  }
0xb3: {  	[hbm4b:s25+s2] =	stream.linear.scatter [tilespmem:s15], [sflag:$0x1], $0x80, $0x38;
	[tilespmem:$0xC000] =	vst v63  }
0xb4: {  	s26 =	sadd.s32 $0x400, s17;
	s28 =	sadd.s32 $0x2000, s14  }
0xb5: {  	[hbm4b:s26+s2] =	stream.linear.scatter [tilespmem:s28], [sflag:$0x1], $0x80, $0x38;
	[tilespmem:$0xC000] =	vst v63  }
0xb6: {  	s29 =	sadd.s32 $0x2400, s14;
	s30 =	sadd.s32 $0x480, s17  }
0xb7: {  	[hbm4b:s30+s2] =	stream.linear.scatter [tilespmem:s29], [sflag:$0x1], $0x80, $0x38;
	[tilespmem:$0xC000] =	vst v63  }
0xb8: {  	s31 =	spop (v2sf);
	s20 =	sadd.s32 $0x2800, s14;
	s21 =	sadd.s32 $0x500, s17  }
0xb9: {  	(v2sf) =	vpush v0, $0xA;
	[hbm4b:s21+s2] =	stream.linear.scatter [tilespmem:s20], [sflag:$0x1], $0x80, $0x38;
	[tilespmem:$0xC000] =	vst v63  }
0xba: {  	s22 =	sshll.u32 s31, $0xA;
	s23 =	sadd.s32 $0x2C00, s14;
	s24 =	sadd.s32 $0x580, s17  }
0xbb: {  	[hbm4b:s24+s2] =	stream.linear.scatter [tilespmem:s23], [sflag:$0x1], $0x80, $0x38;
	[tilespmem:$0xC000] =	vst v63  }
0xbc: {  	s16 =	sand.u32 $0xFFFFE000, s22;
	s25 =	sadd.s32 $0x3000, s14;
	s26 =	sadd.s32 $0x600, s17  }
0xbd: {  	[hbm4b:s26+s2] =	stream.linear.scatter [tilespmem:s25], [sflag:$0x1], $0x80, $0x38;
	[tilespmem:$0xC000] =	vst v63  }
0xbe: {  	s15 =	sshll.u32 s31, $0x7;
	s28 =	sadd.s32 $0x3400, s14;
	s29 =	sadd.s32 $0x680, s17  }
0xbf: {  	[hbm4b:s29+s2] =	stream.linear.scatter [tilespmem:s28], [sflag:$0x1], $0x80, $0x38;
	[tilespmem:$0xC000] =	vst v63  }
0xc0: {  	s31 =	sadd.s32 $0x700, s17;
	s15 =	sand.u32 $0x380, s15;
	s30 =	sadd.s32 $0x3800, s14  }
0xc1: {  	[hbm4b:s31+s2] =	stream.linear.scatter [tilespmem:s30], [sflag:$0x1], $0x80, $0x38;
	[tilespmem:$0xC000] =	vst v63  }
0xc2: {  	s15 =	sor.u32 s15, s16;
	s14 =	sadd.s32 $0x3C00, s14;
	s20 =	sadd.s32 $0x780, s17  }
0xc3: {  	[hbm4b:s20+s2] =	stream.linear.scatter [tilespmem:s14], [sflag:$0x1], $0x80, $0x38;
	[tilespmem:$0xC000] =	vst v63  }
0xc4: {  	s22 =	sadd.s32 $0x2000, s15;
	s21 =	sadd.s32 $0x410, s17  }
0xc5: {  	[hbm4b:s21+s2] =	stream.linear.scatter [tilespmem:s22], [sflag:$0x1], $0x80, $0x38;
	[tilespmem:$0xC000] =	vst v63  }
0xc6: {  	s23 =	sadd.s32 $0x2400, s15;
	s24 =	sadd.s32 $0x490, s17  }
0xc7: {  	[hbm4b:s24+s2] =	stream.linear.scatter [tilespmem:s23], [sflag:$0x1], $0x80, $0x38;
	[tilespmem:$0xC000] =	vst v63  }
0xc8: {  	s25 =	spop (v2sf);
	s26 =	sadd.s32 $0x2800, s15;
	s28 =	sadd.s32 $0x510, s17  }
0xc9: {  	(v2sf) =	vpush v0, $0xB;
	[hbm4b:s28+s2] =	stream.linear.scatter [tilespmem:s26], [sflag:$0x1], $0x80, $0x38;
	[tilespmem:$0xC000] =	vst v63  }
0xca: {  	s29 =	sshll.u32 s25, $0xA;
	s30 =	sadd.s32 $0x2C00, s15;
	s31 =	sadd.s32 $0x590, s17  }
0xcb: {  	[hbm4b:s31+s2] =	stream.linear.scatter [tilespmem:s30], [sflag:$0x1], $0x80, $0x38;
	[tilespmem:$0xC000] =	vst v63  }
0xcc: {  	s19 =	sadd.s32 $0x3000, s15;
	s16 =	sand.u32 $0xFFFFE000, s29;
	s20 =	sadd.s32 $0x610, s17  }
0xcd: {  	[hbm4b:s20+s2] =	stream.linear.scatter [tilespmem:s19], [sflag:$0x1], $0x80, $0x38;
	[tilespmem:$0xC000] =	vst v63  }
0xce: {  	s14 =	sshll.u32 s25, $0x7;
	s21 =	sadd.s32 $0x3400, s15;
	s22 =	sadd.s32 $0x690, s17  }
0xcf: {  	[hbm4b:s22+s2] =	stream.linear.scatter [tilespmem:s21], [sflag:$0x1], $0x80, $0x38;
	[tilespmem:$0xC000] =	vst v63  }
0xd0: {  	s14 =	sand.u32 $0x380, s14;
	s23 =	sadd.s32 $0x3800, s15;
	s24 =	sadd.s32 $0x710, s17  }
0xd1: {  	[hbm4b:s24+s2] =	stream.linear.scatter [tilespmem:s23], [sflag:$0x1], $0x80, $0x38;
	[tilespmem:$0xC000] =	vst v63  }
0xd2: {  	s25 =	sadd.s32 $0x790, s17;
	s14 =	sor.u32 s14, s16;
	s15 =	sadd.s32 $0x3C00, s15  }
0xd3: {  	[hbm4b:s25+s2] =	stream.linear.scatter [tilespmem:s15], [sflag:$0x1], $0x80, $0x38;
	[tilespmem:$0xC000] =	vst v63  }
0xd4: {  	s26 =	sadd.s32 $0x2000, s14;
	s28 =	sadd.s32 $0x420, s17  }
0xd5: {  	[hbm4b:s28+s2] =	stream.linear.scatter [tilespmem:s26], [sflag:$0x1], $0x80, $0x38;
	[tilespmem:$0xC000] =	vst v63  }
0xd6: {  	s29 =	sadd.s32 $0x2400, s14;
	s30 =	sadd.s32 $0x4A0, s17  }
0xd7: {  	[hbm4b:s30+s2] =	stream.linear.scatter [tilespmem:s29], [sflag:$0x1], $0x80, $0x38;
	[tilespmem:$0xC000] =	vst v63  }
0xd8: {  	s31 =	spop (v2sf);
	s20 =	sadd.s32 $0x2800, s14;
	s21 =	sadd.s32 $0x520, s17  }
0xd9: {  	(v2sf) =	vpush v0, $0xC;
	[hbm4b:s21+s2] =	stream.linear.scatter [tilespmem:s20], [sflag:$0x1], $0x80, $0x38;
	[tilespmem:$0xC000] =	vst v63  }
0xda: {  	s22 =	sshll.u32 s31, $0xA;
	s23 =	sadd.s32 $0x2C00, s14;
	s24 =	sadd.s32 $0x5A0, s17  }
0xdb: {  	[hbm4b:s24+s2] =	stream.linear.scatter [tilespmem:s23], [sflag:$0x1], $0x80, $0x38;
	[tilespmem:$0xC000] =	vst v63  }
0xdc: {  	s16 =	sand.u32 $0xFFFFE000, s22;
	s25 =	sadd.s32 $0x3000, s14;
	s26 =	sadd.s32 $0x620, s17  }
0xdd: {  	[hbm4b:s26+s2] =	stream.linear.scatter [tilespmem:s25], [sflag:$0x1], $0x80, $0x38;
	[tilespmem:$0xC000] =	vst v63  }
0xde: {  	s15 =	sshll.u32 s31, $0x7;
	s28 =	sadd.s32 $0x3400, s14;
	s29 =	sadd.s32 $0x6A0, s17  }
0xdf: {  	[hbm4b:s29+s2] =	stream.linear.scatter [tilespmem:s28], [sflag:$0x1], $0x80, $0x38;
	[tilespmem:$0xC000] =	vst v63  }
0xe0: {  	s31 =	sadd.s32 $0x720, s17;
	s15 =	sand.u32 $0x380, s15;
	s30 =	sadd.s32 $0x3800, s14  }
0xe1: {  	[hbm4b:s31+s2] =	stream.linear.scatter [tilespmem:s30], [sflag:$0x1], $0x80, $0x38;
	[tilespmem:$0xC000] =	vst v63  }
0xe2: {  	s15 =	sor.u32 s15, s16;
	s14 =	sadd.s32 $0x3C00, s14;
	s20 =	sadd.s32 $0x7A0, s17  }
0xe3: {  	[hbm4b:s20+s2] =	stream.linear.scatter [tilespmem:s14], [sflag:$0x1], $0x80, $0x38;
	[tilespmem:$0xC000] =	vst v63  }
0xe4: {  	s22 =	sadd.s32 $0x2000, s15;
	s21 =	sadd.s32 $0x430, s17  }
0xe5: {  	[hbm4b:s21+s2] =	stream.linear.scatter [tilespmem:s22], [sflag:$0x1], $0x80, $0x38;
	[tilespmem:$0xC000] =	vst v63  }
0xe6: {  	s23 =	sadd.s32 $0x2400, s15;
	s24 =	sadd.s32 $0x4B0, s17  }
0xe7: {  	[hbm4b:s24+s2] =	stream.linear.scatter [tilespmem:s23], [sflag:$0x1], $0x80, $0x38;
	[tilespmem:$0xC000] =	vst v63  }
0xe8: {  	s25 =	spop (v2sf);
	s26 =	sadd.s32 $0x2800, s15;
	s28 =	sadd.s32 $0x530, s17  }
0xe9: {  	(v2sf) =	vpush v0, $0xD;
	[hbm4b:s28+s2] =	stream.linear.scatter [tilespmem:s26], [sflag:$0x1], $0x80, $0x38;
	[tilespmem:$0xC000] =	vst v63  }
0xea: {  	s29 =	sshll.u32 s25, $0xA;
	s30 =	sadd.s32 $0x2C00, s15;
	s31 =	sadd.s32 $0x5B0, s17  }
0xeb: {  	[hbm4b:s31+s2] =	stream.linear.scatter [tilespmem:s30], [sflag:$0x1], $0x80, $0x38;
	[tilespmem:$0xC000] =	vst v63  }
0xec: {  	s19 =	sadd.s32 $0x3000, s15;
	s16 =	sand.u32 $0xFFFFE000, s29;
	s20 =	sadd.s32 $0x630, s17  }
0xed: {  	[hbm4b:s20+s2] =	stream.linear.scatter [tilespmem:s19], [sflag:$0x1], $0x80, $0x38;
	[tilespmem:$0xC000] =	vst v63  }
0xee: {  	s14 =	sshll.u32 s25, $0x7;
	s21 =	sadd.s32 $0x3400, s15;
	s22 =	sadd.s32 $0x6B0, s17  }
0xef: {  	[hbm4b:s22+s2] =	stream.linear.scatter [tilespmem:s21], [sflag:$0x1], $0x80, $0x38;
	[tilespmem:$0xC000] =	vst v63  }
0xf0: {  	s14 =	sand.u32 $0x380, s14;
	s23 =	sadd.s32 $0x3800, s15;
	s24 =	sadd.s32 $0x730, s17  }
0xf1: {  	[hbm4b:s24+s2] =	stream.linear.scatter [tilespmem:s23], [sflag:$0x1], $0x80, $0x38;
	[tilespmem:$0xC000] =	vst v63  }
0xf2: {  	s25 =	sadd.s32 $0x7B0, s17;
	s14 =	sor.u32 s14, s16;
	s15 =	sadd.s32 $0x3C00, s15  }
0xf3: {  	[hbm4b:s25+s2] =	stream.linear.scatter [tilespmem:s15], [sflag:$0x1], $0x80, $0x38;
	[tilespmem:$0xC000] =	vst v63  }
0xf4: {  	s26 =	sadd.s32 $0x440, s17;
	s28 =	sadd.s32 $0x2000, s14  }
0xf5: {  	[hbm4b:s26+s2] =	stream.linear.scatter [tilespmem:s28], [sflag:$0x1], $0x80, $0x38;
	[tilespmem:$0xC000] =	vst v63  }
0xf6: {  	s29 =	sadd.s32 $0x2400, s14;
	s30 =	sadd.s32 $0x4C0, s17  }
0xf7: {  	[hbm4b:s30+s2] =	stream.linear.scatter [tilespmem:s29], [sflag:$0x1], $0x80, $0x38;
	[tilespmem:$0xC000] =	vst v63  }
0xf8: {  	s31 =	spop (v2sf);
	s20 =	sadd.s32 $0x2800, s14;
	s21 =	sadd.s32 $0x540, s17  }
0xf9: {  	(v2sf) =	vpush v0, $0xE;
	[hbm4b:s21+s2] =	stream.linear.scatter [tilespmem:s20], [sflag:$0x1], $0x80, $0x38;
	[tilespmem:$0xC000] =	vst v63  }
0xfa: {  	s22 =	sshll.u32 s31, $0xA;
	s23 =	sadd.s32 $0x2C00, s14;
	s24 =	sadd.s32 $0x5C0, s17  }
0xfb: {  	[hbm4b:s24+s2] =	stream.linear.scatter [tilespmem:s23], [sflag:$0x1], $0x80, $0x38;
	[tilespmem:$0xC000] =	vst v63  }
0xfc: {  	s16 =	sand.u32 $0xFFFFE000, s22;
	s25 =	sadd.s32 $0x3000, s14;
	s26 =	sadd.s32 $0x640, s17  }
0xfd: {  	[hbm4b:s26+s2] =	stream.linear.scatter [tilespmem:s25], [sflag:$0x1], $0x80, $0x38;
	[tilespmem:$0xC000] =	vst v63  }
0xfe: {  	s15 =	sshll.u32 s31, $0x7;
	s28 =	sadd.s32 $0x3400, s14;
	s29 =	sadd.s32 $0x6C0, s17  }
0xff: {  	[hbm4b:s29+s2] =	stream.linear.scatter [tilespmem:s28], [sflag:$0x1], $0x80, $0x38;
	[tilespmem:$0xC000] =	vst v63  }
0x100: {  	s31 =	sadd.s32 $0x740, s17;
	s15 =	sand.u32 $0x380, s15;
	s30 =	sadd.s32 $0x3800, s14  }
0x101: {  	[hbm4b:s31+s2] =	stream.linear.scatter [tilespmem:s30], [sflag:$0x1], $0x80, $0x38;
	[tilespmem:$0xC000] =	vst v63  }
0x102: {  	s15 =	sor.u32 s15, s16;
	s14 =	sadd.s32 $0x3C00, s14;
	s20 =	sadd.s32 $0x7C0, s17  }
0x103: {  	[hbm4b:s20+s2] =	stream.linear.scatter [tilespmem:s14], [sflag:$0x1], $0x80, $0x38;
	[tilespmem:$0xC000] =	vst v63  }
0x104: {  	s22 =	sadd.s32 $0x2000, s15;
	s21 =	sadd.s32 $0x450, s17  }
0x105: {  	[hbm4b:s21+s2] =	stream.linear.scatter [tilespmem:s22], [sflag:$0x1], $0x80, $0x38;
	[tilespmem:$0xC000] =	vst v63  }
0x106: {  	s23 =	sadd.s32 $0x2400, s15;
	s24 =	sadd.s32 $0x4D0, s17  }
0x107: {  	[hbm4b:s24+s2] =	stream.linear.scatter [tilespmem:s23], [sflag:$0x1], $0x80, $0x38;
	[tilespmem:$0xC000] =	vst v63  }
0x108: {  	s25 =	spop (v2sf);
	s26 =	sadd.s32 $0x2800, s15;
	s28 =	sadd.s32 $0x550, s17  }
0x109: {  	(v2sf) =	vpush v0, $0xF;
	[hbm4b:s28+s2] =	stream.linear.scatter [tilespmem:s26], [sflag:$0x1], $0x80, $0x38;
	[tilespmem:$0xC000] =	vst v63  }
0x10a: {  	s29 =	sshll.u32 s25, $0xA;
	s30 =	sadd.s32 $0x2C00, s15;
	s31 =	sadd.s32 $0x5D0, s17  }
0x10b: {  	[hbm4b:s31+s2] =	stream.linear.scatter [tilespmem:s30], [sflag:$0x1], $0x80, $0x38;
	[tilespmem:$0xC000] =	vst v63  }
0x10c: {  	s19 =	sadd.s32 $0x3000, s15;
	s16 =	sand.u32 $0xFFFFE000, s29;
	s20 =	sadd.s32 $0x650, s17  }
0x10d: {  	[hbm4b:s20+s2] =	stream.linear.scatter [tilespmem:s19], [sflag:$0x1], $0x80, $0x38;
	[tilespmem:$0xC000] =	vst v63  }
0x10e: {  	s14 =	sshll.u32 s25, $0x7;
	s21 =	sadd.s32 $0x3400, s15;
	s22 =	sadd.s32 $0x6D0, s17  }
0x10f: {  	[hbm4b:s22+s2] =	stream.linear.scatter [tilespmem:s21], [sflag:$0x1], $0x80, $0x38;
	[tilespmem:$0xC000] =	vst v63  }
0x110: {  	s14 =	sand.u32 $0x380, s14;
	s23 =	sadd.s32 $0x3800, s15;
	s24 =	sadd.s32 $0x750, s17  }
0x111: {  	[hbm4b:s24+s2] =	stream.linear.scatter [tilespmem:s23], [sflag:$0x1], $0x80, $0x38;
	[tilespmem:$0xC000] =	vst v63  }
0x112: {  	s25 =	sadd.s32 $0x7D0, s17;
	s14 =	sor.u32 s14, s16;
	s15 =	sadd.s32 $0x3C00, s15  }
0x113: {  	[hbm4b:s25+s2] =	stream.linear.scatter [tilespmem:s15], [sflag:$0x1], $0x80, $0x38;
	[tilespmem:$0xC000] =	vst v63  }
0x114: {  	s26 =	sadd.s32 $0x460, s17;
	s28 =	sadd.s32 $0x2000, s14  }
0x115: {  	[hbm4b:s26+s2] =	stream.linear.scatter [tilespmem:s28], [sflag:$0x1], $0x80, $0x38;
	[tilespmem:$0xC000] =	vst v63  }
0x116: {  	s29 =	sadd.s32 $0x2400, s14;
	s30 =	sadd.s32 $0x4E0, s17  }
0x117: {  	[hbm4b:s30+s2] =	stream.linear.scatter [tilespmem:s29], [sflag:$0x1], $0x80, $0x38;
	[tilespmem:$0xC000] =	vst v63  }
0x118: {  	s31 =	spop (v2sf);
	s19 =	sadd.s32 $0x2800, s14;
	s20 =	sadd.s32 $0x560, s17  }
0x119: {  	[hbm4b:s20+s2] =	stream.linear.scatter [tilespmem:s19], [sflag:$0x1], $0x80, $0x38;
	[tilespmem:$0xC000] =	vst v63  }
0x11a: {  	s21 =	sshll.u32 s31, $0xA;
	s22 =	sadd.s32 $0x2C00, s14;
	s23 =	sadd.s32 $0x5E0, s17  }
0x11b: {  	[hbm4b:s23+s2] =	stream.linear.scatter [tilespmem:s22], [sflag:$0x1], $0x80, $0x38;
	[tilespmem:$0xC000] =	vst v63  }
0x11c: {  	s16 =	sand.u32 $0xFFFFE000, s21;
	s24 =	sadd.s32 $0x3000, s14;
	s25 =	sadd.s32 $0x660, s17  }
0x11d: {  	[hbm4b:s25+s2] =	stream.linear.scatter [tilespmem:s24], [sflag:$0x1], $0x80, $0x38;
	[tilespmem:$0xC000] =	vst v63  }
0x11e: {  	s15 =	sshll.u32 s31, $0x7;
	s26 =	sadd.s32 $0x3400, s14;
	s28 =	sadd.s32 $0x6E0, s17  }
0x11f: {  	[hbm4b:s28+s2] =	stream.linear.scatter [tilespmem:s26], [sflag:$0x1], $0x80, $0x38;
	[tilespmem:$0xC000] =	vst v63  }
0x120: {  	s15 =	sand.u32 $0x380, s15;
	s29 =	sadd.s32 $0x3800, s14;
	s30 =	sadd.s32 $0x760, s17  }
0x121: {  	[hbm4b:s30+s2] =	stream.linear.scatter [tilespmem:s29], [sflag:$0x1], $0x80, $0x38;
	[tilespmem:$0xC000] =	vst v63  }
0x122: {  	s31 =	sadd.s32 $0x7E0, s17;
	s18 =	sor.u32 s15, s16;
	s14 =	sadd.s32 $0x3C00, s14  }
0x123: {  	[hbm4b:s31+s2] =	stream.linear.scatter [tilespmem:s14], [sflag:$0x1], $0x80, $0x38;
	[tilespmem:$0xC000] =	vst v63  }
0x124: {  	s15 =	sadd.s32 $0x470, s17;
	s16 =	sadd.s32 $0x2000, s18  }
0x125: {  	[hbm4b:s15+s2] =	stream.linear.scatter [tilespmem:s16], [sflag:$0x1], $0x80, $0x38;
	[tilespmem:$0xC000] =	vst v63  }
0x126: {  	p1 =	por $0x1, $0x1;
	s19 =	sadd.s32 $0x2400, s18;
	s20 =	sadd.s32 $0x4F0, s17  }
0x127: {  	[hbm4b:s20+s2] =	stream.linear.scatter [tilespmem:s19], [sflag:$0x1], $0x80, $0x38;
	[tilespmem:$0xC000] =	vst v63  }
0x128: {  	s21 =	sadd.s32 $0x2800, s18;
	s22 =	sadd.s32 $0x570, s17;
	s23 =	sadd.s32 $0x2C00, s18  }
0x129: {  	[hbm4b:s22+s2] =	stream.linear.scatter [tilespmem:s21], [sflag:$0x1], $0x80, $0x38;
	[tilespmem:$0xC000] =	vst v63  }
0x12a: {  	s24 =	sadd.s32 $0x5F0, s17;
	s25 =	sadd.s32 $0x3000, s18;
	s26 =	sadd.s32 $0x670, s17  }
0x12b: {  	[hbm4b:s24+s2] =	stream.linear.scatter [tilespmem:s23], [sflag:$0x1], $0x80, $0x38;
	[tilespmem:$0xC000] =	vst v63  }
0x12c: {  	s28 =	sadd.s32 $0x3400, s18;
	s29 =	sadd.s32 $0x6F0, s17;
	s30 =	sadd.s32 $0x3800, s18  }
0x12d: {  	[hbm4b:s26+s2] =	stream.linear.scatter [tilespmem:s25], [sflag:$0x1], $0x80, $0x38;
	[tilespmem:$0xC000] =	vst v63  }
0x12e: {  	s18 =	sadd.s32 $0x3C00, s18;
	s31 =	sadd.s32 $0x770, s17;
	s14 =	simm.s32 $0x0  }
0x12f: {  	[hbm4b:s29+s2] =	stream.linear.scatter [tilespmem:s28], [sflag:$0x1], $0x80, $0x38;
	[tilespmem:$0xC000] =	vst v63  }
0x130: {  	s17 =	sadd.s32 $0x7F0, s17;
	s15 =	simm.s32 $0x800;
	s16 =	simm.s32 $0x1810  }
0x131: {  	[hbm4b:s31+s2] =	stream.linear.scatter [tilespmem:s30], [sflag:$0x1], $0x80, $0x38;
	[tilespmem:$0xC000] =	vst v63  }
.LBB2_4:
0x132: {  	s19 =	simm.s32 @!p1 $0x1  }
0x133: {  	[hbm4b:s17+s2] =	stream.linear.scatter [tilespmem:s18], [sflag:$0x1], $0x80, $0x38;
	[tilespmem:$0xC000] =	vst v63  }
0x134: {  	_ =	swait.ge @!p1 [sflag:s19], $0x800  }
0x135: {  	[sflag:s19] =	ssyncset.done @!p1 $0x0  }
0x136: {  	[sflag:s19] =	ssyncadd.s32 @!p1 $0xFFFFF800  }
0x137: {  	v0 =	vld [tilespmem:s16+$0x0];
	_ =	sdelay $0x4  }
0x138: {  	(v2sf) =	vpush v0, $0x0  }
0x139: {  	(v2sf) =	vpush v0, $0x1;
	_ =	sdelay $0x1  }
0x13a: {  	(v2sf) =	vpush v0, $0x2;
	_ =	sdelay $0x3  }
0x13b: {  	(v2sf) =	vpush v0, $0x3;
	_ =	sdelay $0x5  }
0x13c: {  	s20 =	smov.u32 s15;
	s24 =	rddreg [dreg:$0x3]  }
0x13d: {  	s17 =	sadd.s32 s20, s24  }
0x13e: {  	s31 =	sadd.s32 $0x80, s17;
	s25 =	spop (v2sf)  }
0x13f: {  	s26 =	sshll.u32 s25, $0xA;
	s18 =	sshll.u32 s25, $0x7;
	s21 =	spop (v2sf)  }
0x140: {  	s25 =	sadd.s32 $0x100, s17;
	s19 =	sand.u32 $0xFFFFE000, s26;
	s18 =	sand.u32 $0x380, s18  }
0x141: {  	s22 =	sshll.u32 s21, $0xA;
	s21 =	sshll.u32 s21, $0x7;
	s26 =	spop (v2sf)  }
0x142: {  	s18 =	sor.u32 s18, s19;
	s28 =	sand.u32 $0xFFFFE000, s22;
	s21 =	sand.u32 $0x380, s21  }
0x143: {  	s23 =	sshll.u32 s26, $0xA;
	s22 =	sshll.u32 s26, $0x7;
	s29 =	sadd.s32 $0x2000, s18  }
0x144: {  	(v2sf) =	vpush v0, $0x4;
	[hbm4b:s17+s2] =	stream.linear.scatter [tilespmem:s29], [sflag:$0x1], $0x80, $0x38;
	[tilespmem:$0xC000] =	vst v63  }
0x145: {  	s24 =	spop (v2sf);
	s30 =	sadd.s32 $0x2400, s18;
	s19 =	sor.u32 s21, s28  }
0x146: {  	[hbm4b:s31+s2] =	stream.linear.scatter [tilespmem:s30], [sflag:$0x1], $0x80, $0x38;
	[tilespmem:$0xC000] =	vst v63  }
0x147: {  	s21 =	sadd.s32 $0x2800, s18;
	s28 =	sadd.s32 $0x2C00, s18;
	s26 =	sadd.s32 $0x3400, s18  }
0x148: {  	(v2sf) =	vpush v0, $0x5;
	[hbm4b:s25+s2] =	stream.linear.scatter [tilespmem:s21], [sflag:$0x1], $0x80, $0x38;
	[tilespmem:$0xC000] =	vst v63  }
0x149: {  	s22 =	sand.u32 $0x380, s22;
	s29 =	sadd.s32 $0x180, s17;
	s20 =	sadd.s32 $0x2C00, s19  }
0x14a: {  	[hbm4b:s29+s2] =	stream.linear.scatter [tilespmem:s28], [sflag:$0x1], $0x80, $0x38;
	[tilespmem:$0xC000] =	vst v63  }
0x14b: {  	s30 =	sadd.s32 $0x3000, s18;
	s31 =	sadd.s32 $0x200, s17;
	s25 =	sshll.u32 s24, $0xA  }
0x14c: {  	[hbm4b:s31+s2] =	stream.linear.scatter [tilespmem:s30], [sflag:$0x1], $0x80, $0x38;
	[tilespmem:$0xC000] =	vst v63  }
0x14d: {  	s24 =	sshll.u32 s24, $0x7;
	s21 =	sadd.s32 $0x10, s17;
	s28 =	sadd.s32 $0x280, s17  }
0x14e: {  	[hbm4b:s28+s2] =	stream.linear.scatter [tilespmem:s26], [sflag:$0x1], $0x80, $0x38;
	[tilespmem:$0xC000] =	vst v63  }
0x14f: {  	s25 =	sand.u32 $0xFFFFE000, s25;
	s29 =	sadd.s32 $0x3800, s18;
	s30 =	sadd.s32 $0x300, s17  }
0x150: {  	[hbm4b:s30+s2] =	stream.linear.scatter [tilespmem:s29], [sflag:$0x1], $0x80, $0x38;
	[tilespmem:$0xC000] =	vst v63  }
0x151: {  	s24 =	sand.u32 $0x380, s24;
	s18 =	sadd.s32 $0x3C00, s18;
	s31 =	sadd.s32 $0x380, s17  }
0x152: {  	[hbm4b:s31+s2] =	stream.linear.scatter [tilespmem:s18], [sflag:$0x1], $0x80, $0x38;
	[tilespmem:$0xC000] =	vst v63  }
0x153: {  	s26 =	sadd.s32 $0x290, s17;
	s28 =	spop (v2sf);
	s29 =	sadd.s32 $0x2000, s19  }
0x154: {  	[hbm4b:s21+s2] =	stream.linear.scatter [tilespmem:s29], [sflag:$0x1], $0x80, $0x38;
	[tilespmem:$0xC000] =	vst v63  }
0x155: {  	s30 =	sadd.s32 $0x2400, s19;
	s31 =	sadd.s32 $0x90, s17;
	s18 =	sor.u32 s24, s25  }
0x156: {  	[hbm4b:s31+s2] =	stream.linear.scatter [tilespmem:s30], [sflag:$0x1], $0x80, $0x38;
	[tilespmem:$0xC000] =	vst v63  }
0x157: {  	s24 =	spop (v2sf);
	s21 =	sadd.s32 $0x2800, s19;
	s30 =	sadd.s32 $0x110, s17  }
0x158: {  	[hbm4b:s30+s2] =	stream.linear.scatter [tilespmem:s21], [sflag:$0x1], $0x80, $0x38;
	[tilespmem:$0xC000] =	vst v63  }
0x159: {  	s25 =	sadd.s32 $0x20, s17;
	s29 =	sadd.s32 $0x210, s17;
	s30 =	sand.u32 $0xFFFFE000, s23  }
0x15a: {  	s31 =	sadd.s32 $0x190, s17;
	s23 =	sshll.u32 s28, $0xA;
	s21 =	sor.u32 s22, s30  }
0x15b: {  	[hbm4b:s31+s2] =	stream.linear.scatter [tilespmem:s20], [sflag:$0x1], $0x80, $0x38;
	[tilespmem:$0xC000] =	vst v63  }
0x15c: {  	s22 =	sadd.s32 $0x3400, s19;
	s30 =	sadd.s32 $0x3800, s19;
	s31 =	sadd.s32 $0x3000, s19  }
0x15d: {  	[hbm4b:s29+s2] =	stream.linear.scatter [tilespmem:s31], [sflag:$0x1], $0x80, $0x38;
	[tilespmem:$0xC000] =	vst v63  }
0x15e: {  	s20 =	sand.u32 $0xFFFFE000, s23;
	s23 =	sshll.u32 s28, $0x7;
	s19 =	sadd.s32 $0x3C00, s19  }
0x15f: {  	(v2sf) =	vpush v0, $0x6;
	[hbm4b:s26+s2] =	stream.linear.scatter [tilespmem:s22], [sflag:$0x1], $0x80, $0x38;
	[tilespmem:$0xC000] =	vst v63  }
0x160: {  	s28 =	sadd.s32 $0x2400, s21;
	s23 =	sand.u32 $0x380, s23;
	s31 =	sadd.s32 $0x310, s17  }
0x161: {  	[hbm4b:s31+s2] =	stream.linear.scatter [tilespmem:s30], [sflag:$0x1], $0x80, $0x38;
	[tilespmem:$0xC000] =	vst v63  }
0x162: {  	s29 =	sadd.s32 $0xA0, s17;
	s22 =	sor.u32 s23, s20;
	s30 =	sadd.s32 $0x390, s17  }
0x163: {  	[hbm4b:s30+s2] =	stream.linear.scatter [tilespmem:s19], [sflag:$0x1], $0x80, $0x38;
	[tilespmem:$0xC000] =	vst v63  }
0x164: {  	s26 =	sadd.s32 $0x2000, s21;
	s20 =	sshll.u32 s24, $0x7;
	s31 =	sshll.u32 s24, $0xA  }
0x165: {  	[hbm4b:s25+s2] =	stream.linear.scatter [tilespmem:s26], [sflag:$0x1], $0x80, $0x38;
	[tilespmem:$0xC000] =	vst v63  }
0x166: {  	s23 =	sadd.s32 $0x2C00, s21;
	s20 =	sand.u32 $0x380, s20;
	s24 =	sand.u32 $0xFFFFE000, s31  }
0x167: {  	[hbm4b:s29+s2] =	stream.linear.scatter [tilespmem:s28], [sflag:$0x1], $0x80, $0x38;
	[tilespmem:$0xC000] =	vst v63  }
0x168: {  	s31 =	sadd.s32 $0x120, s17;
	s30 =	sadd.s32 $0x2800, s21;
	s20 =	sor.u32 s20, s24  }
0x169: {  	[hbm4b:s31+s2] =	stream.linear.scatter [tilespmem:s30], [sflag:$0x1], $0x80, $0x38;
	[tilespmem:$0xC000] =	vst v63  }
0x16a: {  	s24 =	sadd.s32 $0x3800, s21;
	s19 =	sadd.s32 $0x3B0, s17;
	s25 =	sadd.s32 $0x1A0, s17  }
0x16b: {  	(v2sf) =	vpush v0, $0x7;
	[hbm4b:s25+s2] =	stream.linear.scatter [tilespmem:s23], [sflag:$0x1], $0x80, $0x38;
	[tilespmem:$0xC000] =	vst v63  }
0x16c: {  	s26 =	sadd.s32 $0x3000, s21;
	s28 =	sadd.s32 $0x220, s17;
	s29 =	sadd.s32 $0x2A0, s17  }
0x16d: {  	[hbm4b:s28+s2] =	stream.linear.scatter [tilespmem:s26], [sflag:$0x1], $0x80, $0x38;
	[tilespmem:$0xC000] =	vst v63  }
0x16e: {  	s30 =	sadd.s32 $0x3400, s21;
	s31 =	sadd.s32 $0x320, s17;
	s25 =	spop (v2sf)  }
0x16f: {  	[hbm4b:s29+s2] =	stream.linear.scatter [tilespmem:s30], [sflag:$0x1], $0x80, $0x38;
	[tilespmem:$0xC000] =	vst v63  }
0x170: {  	s23 =	sadd.s32 $0x40, s17;
	s28 =	sadd.s32 $0x3A0, s17;
	s26 =	sshll.u32 s25, $0xA  }
0x171: {  	[hbm4b:s31+s2] =	stream.linear.scatter [tilespmem:s24], [sflag:$0x1], $0x80, $0x38;
	[tilespmem:$0xC000] =	vst v63  }
0x172: {  	s25 =	sshll.u32 s25, $0x7;
	s26 =	sand.u32 $0xFFFFE000, s26;
	s29 =	sadd.s32 $0x3C00, s21  }
0x173: {  	(v2sf) =	vpush v0, $0x8;
	[hbm4b:s28+s2] =	stream.linear.scatter [tilespmem:s29], [sflag:$0x1], $0x80, $0x38;
	[tilespmem:$0xC000] =	vst v63  }
0x174: {  	s25 =	sand.u32 $0x380, s25;
	s30 =	sadd.s32 $0x30, s17;
	s31 =	sadd.s32 $0x2000, s18  }
0x175: {  	[hbm4b:s30+s2] =	stream.linear.scatter [tilespmem:s31], [sflag:$0x1], $0x80, $0x38;
	[tilespmem:$0xC000] =	vst v63  }
0x176: {  	s21 =	sor.u32 s25, s26;
	s28 =	sadd.s32 $0x2400, s18;
	s29 =	sadd.s32 $0xB0, s17  }
0x177: {  	[hbm4b:s29+s2] =	stream.linear.scatter [tilespmem:s28], [sflag:$0x1], $0x80, $0x38;
	[tilespmem:$0xC000] =	vst v63  }
0x178: {  	s26 =	sadd.s32 $0x2B0, s17;
	s30 =	sadd.s32 $0x2800, s18;
	s31 =	sadd.s32 $0x130, s17  }
0x179: {  	[hbm4b:s31+s2] =	stream.linear.scatter [tilespmem:s30], [sflag:$0x1], $0x80, $0x38;
	[tilespmem:$0xC000] =	vst v63  }
0x17a: {  	s25 =	spop (v2sf);
	s24 =	sadd.s32 $0x2C00, s18;
	s29 =	sadd.s32 $0x1B0, s17  }
0x17b: {  	[hbm4b:s29+s2] =	stream.linear.scatter [tilespmem:s24], [sflag:$0x1], $0x80, $0x38;
	[tilespmem:$0xC000] =	vst v63  }
0x17c: {  	s28 =	sadd.s32 $0x2400, s22;
	s30 =	sadd.s32 $0x3000, s18;
	s31 =	sadd.s32 $0x230, s17  }
0x17d: {  	(v2sf) =	vpush v0, $0x9;
	[hbm4b:s31+s2] =	stream.linear.scatter [tilespmem:s30], [sflag:$0x1], $0x80, $0x38;
	[tilespmem:$0xC000] =	vst v63  }
0x17e: {  	s24 =	sadd.s32 $0x3400, s18;
	s29 =	sshll.u32 s25, $0xA;
	s25 =	sshll.u32 s25, $0x7  }
0x17f: {  	[hbm4b:s26+s2] =	stream.linear.scatter [tilespmem:s24], [sflag:$0x1], $0x80, $0x38;
	[tilespmem:$0xC000] =	vst v63  }
0x180: {  	s25 =	sand.u32 $0x380, s25;
	s30 =	sadd.s32 $0x3800, s18;
	s31 =	sadd.s32 $0x330, s17  }
0x181: {  	[hbm4b:s31+s2] =	stream.linear.scatter [tilespmem:s30], [sflag:$0x1], $0x80, $0x38;
	[tilespmem:$0xC000] =	vst v63  }
0x182: {  	s18 =	sadd.s32 $0x3C00, s18;
	s24 =	sand.u32 $0xFFFFE000, s29;
	s26 =	spop (v2sf)  }
0x183: {  	[hbm4b:s19+s2] =	stream.linear.scatter [tilespmem:s18], [sflag:$0x1], $0x80, $0x38;
	[tilespmem:$0xC000] =	vst v63  }
0x184: {  	s29 =	sadd.s32 $0xC0, s17;
	s30 =	sadd.s32 $0x2000, s22;
	s31 =	sshll.u32 s26, $0x7  }
0x185: {  	[hbm4b:s23+s2] =	stream.linear.scatter [tilespmem:s30], [sflag:$0x1], $0x80, $0x38;
	[tilespmem:$0xC000] =	vst v63  }
0x186: {  	s19 =	sor.u32 s25, s24;
	s25 =	sshll.u32 s26, $0xA;
	s26 =	sand.u32 $0x380, s31  }
0x187: {  	[hbm4b:s29+s2] =	stream.linear.scatter [tilespmem:s28], [sflag:$0x1], $0x80, $0x38;
	[tilespmem:$0xC000] =	vst v63  }
0x188: {  	s31 =	sadd.s32 $0x140, s17;
	s18 =	sand.u32 $0xFFFFE000, s25;
	s30 =	sadd.s32 $0x2800, s22  }
0x189: {  	(v2sf) =	vpush v0, $0xA;
	[hbm4b:s31+s2] =	stream.linear.scatter [tilespmem:s30], [sflag:$0x1], $0x80, $0x38;
	[tilespmem:$0xC000] =	vst v63  }
0x18a: {  	s18 =	sor.u32 s26, s18;
	s26 =	sadd.s32 $0x2C00, s22;
	s28 =	sadd.s32 $0x1C0, s17  }
0x18b: {  	[hbm4b:s28+s2] =	stream.linear.scatter [tilespmem:s26], [sflag:$0x1], $0x80, $0x38;
	[tilespmem:$0xC000] =	vst v63  }
0x18c: {  	s25 =	spop (v2sf);
	s29 =	sadd.s32 $0x3000, s22;
	s30 =	sadd.s32 $0x240, s17  }
0x18d: {  	[hbm4b:s30+s2] =	stream.linear.scatter [tilespmem:s29], [sflag:$0x1], $0x80, $0x38;
	[tilespmem:$0xC000] =	vst v63  }
0x18e: {  	s31 =	sshll.u32 s25, $0xA;
	s28 =	sadd.s32 $0x3400, s22;
	s29 =	sadd.s32 $0x2C0, s17  }
0x18f: {  	(v2sf) =	vpush v0, $0xB;
	[hbm4b:s29+s2] =	stream.linear.scatter [tilespmem:s28], [sflag:$0x1], $0x80, $0x38;
	[tilespmem:$0xC000] =	vst v63  }
0x190: {  	s26 =	sand.u32 $0xFFFFE000, s31;
	s31 =	sadd.s32 $0x340, s17;
	s30 =	sadd.s32 $0x3800, s22  }
0x191: {  	[hbm4b:s31+s2] =	stream.linear.scatter [tilespmem:s30], [sflag:$0x1], $0x80, $0x38;
	[tilespmem:$0xC000] =	vst v63  }
0x192: {  	s25 =	sshll.u32 s25, $0x7;
	s22 =	sadd.s32 $0x3C00, s22;
	s28 =	sadd.s32 $0x3C0, s17  }
0x193: {  	[hbm4b:s28+s2] =	stream.linear.scatter [tilespmem:s22], [sflag:$0x1], $0x80, $0x38;
	[tilespmem:$0xC000] =	vst v63  }
0x194: {  	s29 =	sand.u32 $0x380, s25;
	s30 =	sadd.s32 $0x50, s17;
	s31 =	sadd.s32 $0x2000, s20  }
0x195: {  	[hbm4b:s30+s2] =	stream.linear.scatter [tilespmem:s31], [sflag:$0x1], $0x80, $0x38;
	[tilespmem:$0xC000] =	vst v63  }
0x196: {  	s25 =	sadd.s32 $0x2400, s20;
	s23 =	sor.u32 s29, s26;
	s26 =	sadd.s32 $0xD0, s17  }
0x197: {  	[hbm4b:s26+s2] =	stream.linear.scatter [tilespmem:s25], [sflag:$0x1], $0x80, $0x38;
	[tilespmem:$0xC000] =	vst v63  }
0x198: {  	s29 =	sadd.s32 $0x2800, s20;
	s28 =	spop (v2sf);
	s30 =	sadd.s32 $0x150, s17  }
0x199: {  	[hbm4b:s30+s2] =	stream.linear.scatter [tilespmem:s29], [sflag:$0x1], $0x80, $0x38;
	[tilespmem:$0xC000] =	vst v63  }
0x19a: {  	s22 =	sadd.s32 $0x2C00, s20;
	s24 =	sshll.u32 s28, $0xA;
	s26 =	sadd.s32 $0x1D0, s17  }
0x19b: {  	(v2sf) =	vpush v0, $0xC;
	[hbm4b:s26+s2] =	stream.linear.scatter [tilespmem:s22], [sflag:$0x1], $0x80, $0x38;
	[tilespmem:$0xC000] =	vst v63  }
0x19c: {  	s31 =	sadd.s32 $0x3000, s20;
	s25 =	sshll.u32 s28, $0x7;
	s30 =	sadd.s32 $0x250, s17  }
0x19d: {  	[hbm4b:s30+s2] =	stream.linear.scatter [tilespmem:s31], [sflag:$0x1], $0x80, $0x38;
	[tilespmem:$0xC000] =	vst v63  }
0x19e: {  	s22 =	spop (v2sf);
	s31 =	sadd.s32 $0x3400, s20;
	s30 =	sadd.s32 $0x2D0, s17  }
0x19f: {  	[hbm4b:s30+s2] =	stream.linear.scatter [tilespmem:s31], [sflag:$0x1], $0x80, $0x38;
	[tilespmem:$0xC000] =	vst v63  }
0x1a0: {  	s26 =	sadd.s32 $0x60, s17;
	s31 =	sadd.s32 $0x3800, s20;
	s30 =	sadd.s32 $0x350, s17  }
0x1a1: {  	[hbm4b:s30+s2] =	stream.linear.scatter [tilespmem:s31], [sflag:$0x1], $0x80, $0x38;
	[tilespmem:$0xC000] =	vst v63  }
0x1a2: {  	s29 =	sshll.u32 s22, $0xA;
	s20 =	sadd.s32 $0x3C00, s20;
	s31 =	sadd.s32 $0x3D0, s17  }
0x1a3: {  	[hbm4b:s31+s2] =	stream.linear.scatter [tilespmem:s20], [sflag:$0x1], $0x80, $0x38;
	[tilespmem:$0xC000] =	vst v63  }
0x1a4: {  	s22 =	sshll.u32 s22, $0x7;
	s28 =	sand.u32 $0xFFFFE000, s29;
	s29 =	sadd.s32 $0x2000, s21  }
0x1a5: {  	[hbm4b:s26+s2] =	stream.linear.scatter [tilespmem:s29], [sflag:$0x1], $0x80, $0x38;
	[tilespmem:$0xC000] =	vst v63  }
0x1a6: {  	s22 =	sand.u32 $0x380, s22;
	s30 =	sadd.s32 $0x2400, s21;
	s31 =	sadd.s32 $0xE0, s17  }
0x1a7: {  	(v2sf) =	vpush v0, $0xD;
	[hbm4b:s31+s2] =	stream.linear.scatter [tilespmem:s30], [sflag:$0x1], $0x80, $0x38;
	[tilespmem:$0xC000] =	vst v63  }
0x1a8: {  	s22 =	sor.u32 s22, s28;
	s26 =	sadd.s32 $0x2800, s21;
	s29 =	sadd.s32 $0x160, s17  }
0x1a9: {  	[hbm4b:s29+s2] =	stream.linear.scatter [tilespmem:s26], [sflag:$0x1], $0x80, $0x38;
	[tilespmem:$0xC000] =	vst v63  }
0x1aa: {  	s28 =	spop (v2sf);
	s30 =	sadd.s32 $0x2C00, s21;
	s31 =	sadd.s32 $0x1E0, s17  }
0x1ab: {  	[hbm4b:s31+s2] =	stream.linear.scatter [tilespmem:s30], [sflag:$0x1], $0x80, $0x38;
	[tilespmem:$0xC000] =	vst v63  }
0x1ac: {  	s29 =	sshll.u32 s28, $0xA;
	s30 =	sadd.s32 $0x3000, s21;
	s31 =	sadd.s32 $0x260, s17  }
0x1ad: {  	[hbm4b:s31+s2] =	stream.linear.scatter [tilespmem:s30], [sflag:$0x1], $0x80, $0x38;
	[tilespmem:$0xC000] =	vst v63  }
0x1ae: {  	s28 =	sshll.u32 s28, $0x7;
	s30 =	sadd.s32 $0x3400, s21;
	s31 =	sadd.s32 $0x2E0, s17  }
0x1af: {  	[hbm4b:s31+s2] =	stream.linear.scatter [tilespmem:s30], [sflag:$0x1], $0x80, $0x38;
	[tilespmem:$0xC000] =	vst v63  }
0x1b0: {  	s28 =	sand.u32 $0x380, s28;
	s30 =	sadd.s32 $0x3800, s21;
	s31 =	sadd.s32 $0x360, s17  }
0x1b1: {  	[hbm4b:s31+s2] =	stream.linear.scatter [tilespmem:s30], [sflag:$0x1], $0x80, $0x38;
	[tilespmem:$0xC000] =	vst v63  }
0x1b2: {  	s29 =	sand.u32 $0xFFFFE000, s29;
	s30 =	sadd.s32 $0x3C00, s21;
	s31 =	sadd.s32 $0x3E0, s17  }
0x1b3: {  	(v2sf) =	vpush v0, $0xE;
	[hbm4b:s31+s2] =	stream.linear.scatter [tilespmem:s30], [sflag:$0x1], $0x80, $0x38;
	[tilespmem:$0xC000] =	vst v63  }
0x1b4: {  	s26 =	sadd.s32 $0x70, s17;
	s21 =	sor.u32 s28, s29;
	s29 =	sadd.s32 $0x2000, s19  }
0x1b5: {  	[hbm4b:s26+s2] =	stream.linear.scatter [tilespmem:s29], [sflag:$0x1], $0x80, $0x38;
	[tilespmem:$0xC000] =	vst v63  }
0x1b6: {  	s28 =	spop (v2sf);
	s30 =	sadd.s32 $0x2400, s19;
	s31 =	sadd.s32 $0xF0, s17  }
0x1b7: {  	[hbm4b:s31+s2] =	stream.linear.scatter [tilespmem:s30], [sflag:$0x1], $0x80, $0x38;
	[tilespmem:$0xC000] =	vst v63  }
0x1b8: {  	s29 =	sshll.u32 s28, $0xA;
	s30 =	sadd.s32 $0x2800, s19;
	s31 =	sadd.s32 $0x170, s17  }
0x1b9: {  	[hbm4b:s31+s2] =	stream.linear.scatter [tilespmem:s30], [sflag:$0x1], $0x80, $0x38;
	[tilespmem:$0xC000] =	vst v63  }
0x1ba: {  	s28 =	sshll.u32 s28, $0x7;
	s30 =	sadd.s32 $0x2C00, s19;
	s31 =	sadd.s32 $0x1F0, s17  }
0x1bb: {  	[hbm4b:s31+s2] =	stream.linear.scatter [tilespmem:s30], [sflag:$0x1], $0x80, $0x38;
	[tilespmem:$0xC000] =	vst v63  }
0x1bc: {  	s26 =	sadd.s32 $0x3000, s19;
	s29 =	sand.u32 $0xFFFFE000, s29;
	s30 =	sadd.s32 $0x270, s17  }
0x1bd: {  	[hbm4b:s30+s2] =	stream.linear.scatter [tilespmem:s26], [sflag:$0x1], $0x80, $0x38;
	[tilespmem:$0xC000] =	vst v63  }
0x1be: {  	s28 =	sand.u32 $0x380, s28;
	s31 =	sadd.s32 $0x3400, s19;
	s30 =	sadd.s32 $0x2F0, s17  }
0x1bf: {  	(v2sf) =	vpush v0, $0xF;
	[hbm4b:s30+s2] =	stream.linear.scatter [tilespmem:s31], [sflag:$0x1], $0x80, $0x38;
	[tilespmem:$0xC000] =	vst v63  }
0x1c0: {  	s20 =	sor.u32 s28, s29;
	s31 =	sadd.s32 $0x3800, s19;
	s30 =	sadd.s32 $0x370, s17  }
0x1c1: {  	[hbm4b:s30+s2] =	stream.linear.scatter [tilespmem:s31], [sflag:$0x1], $0x80, $0x38;
	[tilespmem:$0xC000] =	vst v63  }
0x1c2: {  	s29 =	spop (v2sf);
	s19 =	sadd.s32 $0x3C00, s19;
	s31 =	sadd.s32 $0x3F0, s17  }
0x1c3: {  	[hbm4b:s31+s2] =	stream.linear.scatter [tilespmem:s19], [sflag:$0x1], $0x80, $0x38;
	[tilespmem:$0xC000] =	vst v63  }
0x1c4: {  	s28 =	sshll.u32 s29, $0xA;
	s30 =	sadd.s32 $0x400, s17;
	s31 =	sadd.s32 $0x2000, s18  }
0x1c5: {  	[hbm4b:s30+s2] =	stream.linear.scatter [tilespmem:s31], [sflag:$0x1], $0x80, $0x38;
	[tilespmem:$0xC000] =	vst v63  }
0x1c6: {  	s29 =	sshll.u32 s29, $0x7;
	s30 =	sadd.s32 $0x2400, s18;
	s31 =	sadd.s32 $0x480, s17  }
0x1c7: {  	[hbm4b:s31+s2] =	stream.linear.scatter [tilespmem:s30], [sflag:$0x1], $0x80, $0x38;
	[tilespmem:$0xC000] =	vst v63  }
0x1c8: {  	s28 =	sand.u32 $0xFFFFE000, s28;
	s26 =	sadd.s32 $0x2800, s18;
	s30 =	sadd.s32 $0x500, s17  }
0x1c9: {  	[hbm4b:s30+s2] =	stream.linear.scatter [tilespmem:s26], [sflag:$0x1], $0x80, $0x38;
	[tilespmem:$0xC000] =	vst v63  }
0x1ca: {  	s29 =	sand.u32 $0x380, s29;
	s31 =	sadd.s32 $0x580, s17;
	s26 =	sadd.s32 $0x2C00, s18  }
0x1cb: {  	[hbm4b:s31+s2] =	stream.linear.scatter [tilespmem:s26], [sflag:$0x1], $0x80, $0x38;
	[tilespmem:$0xC000] =	vst v63  }
0x1cc: {  	s19 =	sor.u32 s29, s28;
	s30 =	sadd.s32 $0x600, s17;
	s31 =	sadd.s32 $0x3000, s18  }
0x1cd: {  	[hbm4b:s30+s2] =	stream.linear.scatter [tilespmem:s31], [sflag:$0x1], $0x80, $0x38;
	[tilespmem:$0xC000] =	vst v63  }
0x1ce: {  	s29 =	spop (v2sf);
	s26 =	sadd.s32 $0x3400, s18;
	s31 =	sadd.s32 $0x680, s17  }
0x1cf: {  	[hbm4b:s31+s2] =	stream.linear.scatter [tilespmem:s26], [sflag:$0x1], $0x80, $0x38;
	[tilespmem:$0xC000] =	vst v63  }
0x1d0: {  	s30 =	sshll.u32 s29, $0xA;
	s26 =	sadd.s32 $0x3800, s18;
	s31 =	sadd.s32 $0x700, s17  }
0x1d1: {  	[hbm4b:s31+s2] =	stream.linear.scatter [tilespmem:s26], [sflag:$0x1], $0x80, $0x38;
	[tilespmem:$0xC000] =	vst v63  }
0x1d2: {  	s29 =	sshll.u32 s29, $0x7;
	s18 =	sadd.s32 $0x3C00, s18;
	s31 =	sadd.s32 $0x780, s17  }
0x1d3: {  	[hbm4b:s31+s2] =	stream.linear.scatter [tilespmem:s18], [sflag:$0x1], $0x80, $0x38;
	[tilespmem:$0xC000] =	vst v63  }
0x1d4: {  	s28 =	sand.u32 $0xFFFFE000, s30;
	s30 =	sadd.s32 $0x2000, s23;
	s26 =	sadd.s32 $0x410, s17  }
0x1d5: {  	[hbm4b:s26+s2] =	stream.linear.scatter [tilespmem:s30], [sflag:$0x1], $0x80, $0x38;
	[tilespmem:$0xC000] =	vst v63  }
0x1d6: {  	s29 =	sand.u32 $0x380, s29;
	s31 =	sadd.s32 $0x490, s17;
	s26 =	sadd.s32 $0x2400, s23  }
0x1d7: {  	[hbm4b:s31+s2] =	stream.linear.scatter [tilespmem:s26], [sflag:$0x1], $0x80, $0x38;
	[tilespmem:$0xC000] =	vst v63  }
0x1d8: {  	s18 =	sor.u32 s29, s28;
	s29 =	sadd.s32 $0x510, s17;
	s31 =	sadd.s32 $0x2800, s23  }
0x1d9: {  	[hbm4b:s29+s2] =	stream.linear.scatter [tilespmem:s31], [sflag:$0x1], $0x80, $0x38;
	[tilespmem:$0xC000] =	vst v63  }
0x1da: {  	s30 =	sadd.s32 $0x2C00, s23;
	s31 =	sadd.s32 $0x590, s17  }
0x1db: {  	[hbm4b:s31+s2] =	stream.linear.scatter [tilespmem:s30], [sflag:$0x1], $0x80, $0x38;
	[tilespmem:$0xC000] =	vst v63  }
0x1dc: {  	s29 =	sadd.s32 $0x3000, s23;
	s30 =	sadd.s32 $0x610, s17  }
0x1dd: {  	[hbm4b:s30+s2] =	stream.linear.scatter [tilespmem:s29], [sflag:$0x1], $0x80, $0x38;
	[tilespmem:$0xC000] =	vst v63  }
0x1de: {  	s24 =	sand.u32 $0xFFFFE000, s24;
	s31 =	sadd.s32 $0x3400, s23;
	s29 =	sadd.s32 $0x690, s17  }
0x1df: {  	[hbm4b:s29+s2] =	stream.linear.scatter [tilespmem:s31], [sflag:$0x1], $0x80, $0x38;
	[tilespmem:$0xC000] =	vst v63  }
0x1e0: {  	s25 =	sand.u32 $0x380, s25;
	s30 =	sadd.s32 $0x3800, s23;
	s31 =	sadd.s32 $0x710, s17  }
0x1e1: {  	[hbm4b:s31+s2] =	stream.linear.scatter [tilespmem:s30], [sflag:$0x1], $0x80, $0x38;
	[tilespmem:$0xC000] =	vst v63  }
0x1e2: {  	s24 =	sor.u32 s25, s24;
	s23 =	sadd.s32 $0x3C00, s23;
	s29 =	sadd.s32 $0x790, s17  }
0x1e3: {  	[hbm4b:s29+s2] =	stream.linear.scatter [tilespmem:s23], [sflag:$0x1], $0x80, $0x38;
	[tilespmem:$0xC000] =	vst v63  }
0x1e4: {  	s30 =	sadd.s32 $0x2000, s24;
	s31 =	sadd.s32 $0x420, s17  }
0x1e5: {  	[hbm4b:s31+s2] =	stream.linear.scatter [tilespmem:s30], [sflag:$0x1], $0x80, $0x38;
	[tilespmem:$0xC000] =	vst v63  }
0x1e6: {  	s25 =	sadd.s32 $0x2400, s24;
	s29 =	sadd.s32 $0x4A0, s17  }
0x1e7: {  	[hbm4b:s29+s2] =	stream.linear.scatter [tilespmem:s25], [sflag:$0x1], $0x80, $0x38;
	[tilespmem:$0xC000] =	vst v63  }
0x1e8: {  	s30 =	sadd.s32 $0x2800, s24;
	s31 =	sadd.s32 $0x520, s17  }
0x1e9: {  	[hbm4b:s31+s2] =	stream.linear.scatter [tilespmem:s30], [sflag:$0x1], $0x80, $0x38;
	[tilespmem:$0xC000] =	vst v63  }
0x1ea: {  	s25 =	sadd.s32 $0x2C00, s24;
	s29 =	sadd.s32 $0x5A0, s17  }
0x1eb: {  	[hbm4b:s29+s2] =	stream.linear.scatter [tilespmem:s25], [sflag:$0x1], $0x80, $0x38;
	[tilespmem:$0xC000] =	vst v63  }
0x1ec: {  	s30 =	sadd.s32 $0x3000, s24;
	s31 =	sadd.s32 $0x620, s17  }
0x1ed: {  	[hbm4b:s31+s2] =	stream.linear.scatter [tilespmem:s30], [sflag:$0x1], $0x80, $0x38;
	[tilespmem:$0xC000] =	vst v63  }
0x1ee: {  	s25 =	sadd.s32 $0x3400, s24;
	s29 =	sadd.s32 $0x6A0, s17  }
0x1ef: {  	[hbm4b:s29+s2] =	stream.linear.scatter [tilespmem:s25], [sflag:$0x1], $0x80, $0x38;
	[tilespmem:$0xC000] =	vst v63  }
0x1f0: {  	s30 =	sadd.s32 $0x3800, s24;
	s31 =	sadd.s32 $0x720, s17  }
0x1f1: {  	[hbm4b:s31+s2] =	stream.linear.scatter [tilespmem:s30], [sflag:$0x1], $0x80, $0x38;
	[tilespmem:$0xC000] =	vst v63  }
0x1f2: {  	s24 =	sadd.s32 $0x3C00, s24;
	s29 =	sadd.s32 $0x7A0, s17  }
0x1f3: {  	[hbm4b:s29+s2] =	stream.linear.scatter [tilespmem:s24], [sflag:$0x1], $0x80, $0x38;
	[tilespmem:$0xC000] =	vst v63  }
0x1f4: {  	s30 =	sadd.s32 $0x430, s17;
	s31 =	sadd.s32 $0x2000, s22  }
0x1f5: {  	[hbm4b:s30+s2] =	stream.linear.scatter [tilespmem:s31], [sflag:$0x1], $0x80, $0x38;
	[tilespmem:$0xC000] =	vst v63  }
0x1f6: {  	s28 =	sadd.s32 $0x2400, s22;
	s29 =	sadd.s32 $0x4B0, s17  }
0x1f7: {  	[hbm4b:s29+s2] =	stream.linear.scatter [tilespmem:s28], [sflag:$0x1], $0x80, $0x38;
	[tilespmem:$0xC000] =	vst v63  }
0x1f8: {  	s30 =	sadd.s32 $0x2800, s22;
	s31 =	sadd.s32 $0x530, s17  }
0x1f9: {  	[hbm4b:s31+s2] =	stream.linear.scatter [tilespmem:s30], [sflag:$0x1], $0x80, $0x38;
	[tilespmem:$0xC000] =	vst v63  }
0x1fa: {  	s28 =	sadd.s32 $0x2C00, s22;
	s29 =	sadd.s32 $0x5B0, s17  }
0x1fb: {  	[hbm4b:s29+s2] =	stream.linear.scatter [tilespmem:s28], [sflag:$0x1], $0x80, $0x38;
	[tilespmem:$0xC000] =	vst v63  }
0x1fc: {  	s30 =	sadd.s32 $0x3000, s22;
	s31 =	sadd.s32 $0x630, s17  }
0x1fd: {  	[hbm4b:s31+s2] =	stream.linear.scatter [tilespmem:s30], [sflag:$0x1], $0x80, $0x38;
	[tilespmem:$0xC000] =	vst v63  }
0x1fe: {  	s25 =	sadd.s32 $0x3400, s22;
	s28 =	sadd.s32 $0x6B0, s17  }
0x1ff: {  	[hbm4b:s28+s2] =	stream.linear.scatter [tilespmem:s25], [sflag:$0x1], $0x80, $0x38;
	[tilespmem:$0xC000] =	vst v63  }
0x200: {  	s29 =	sadd.s32 $0x3800, s22;
	s30 =	sadd.s32 $0x730, s17  }
0x201: {  	[hbm4b:s30+s2] =	stream.linear.scatter [tilespmem:s29], [sflag:$0x1], $0x80, $0x38;
	[tilespmem:$0xC000] =	vst v63  }
0x202: {  	s22 =	sadd.s32 $0x3C00, s22;
	s31 =	sadd.s32 $0x7B0, s17  }
0x203: {  	[hbm4b:s31+s2] =	stream.linear.scatter [tilespmem:s22], [sflag:$0x1], $0x80, $0x38;
	[tilespmem:$0xC000] =	vst v63  }
0x204: {  	s26 =	sadd.s32 $0x2000, s21;
	s25 =	sadd.s32 $0x440, s17  }
0x205: {  	[hbm4b:s25+s2] =	stream.linear.scatter [tilespmem:s26], [sflag:$0x1], $0x80, $0x38;
	[tilespmem:$0xC000] =	vst v63  }
0x206: {  	s28 =	sadd.s32 $0x2400, s21;
	s29 =	sadd.s32 $0x4C0, s17  }
0x207: {  	[hbm4b:s29+s2] =	stream.linear.scatter [tilespmem:s28], [sflag:$0x1], $0x80, $0x38;
	[tilespmem:$0xC000] =	vst v63  }
0x208: {  	s30 =	sadd.s32 $0x2800, s21;
	s31 =	sadd.s32 $0x540, s17  }
0x209: {  	[hbm4b:s31+s2] =	stream.linear.scatter [tilespmem:s30], [sflag:$0x1], $0x80, $0x38;
	[tilespmem:$0xC000] =	vst v63  }
0x20a: {  	s24 =	sadd.s32 $0x2C00, s21;
	s26 =	sadd.s32 $0x5C0, s17  }
0x20b: {  	[hbm4b:s26+s2] =	stream.linear.scatter [tilespmem:s24], [sflag:$0x1], $0x80, $0x38;
	[tilespmem:$0xC000] =	vst v63  }
0x20c: {  	s28 =	sadd.s32 $0x3000, s21;
	s29 =	sadd.s32 $0x640, s17  }
0x20d: {  	[hbm4b:s29+s2] =	stream.linear.scatter [tilespmem:s28], [sflag:$0x1], $0x80, $0x38;
	[tilespmem:$0xC000] =	vst v63  }
0x20e: {  	s30 =	sadd.s32 $0x3400, s21;
	s31 =	sadd.s32 $0x6C0, s17  }
0x20f: {  	[hbm4b:s31+s2] =	stream.linear.scatter [tilespmem:s30], [sflag:$0x1], $0x80, $0x38;
	[tilespmem:$0xC000] =	vst v63  }
0x210: {  	s26 =	sadd.s32 $0x3800, s21;
	s28 =	sadd.s32 $0x740, s17  }
0x211: {  	[hbm4b:s28+s2] =	stream.linear.scatter [tilespmem:s26], [sflag:$0x1], $0x80, $0x38;
	[tilespmem:$0xC000] =	vst v63  }
0x212: {  	s21 =	sadd.s32 $0x3C00, s21;
	s29 =	sadd.s32 $0x7C0, s17  }
0x213: {  	[hbm4b:s29+s2] =	stream.linear.scatter [tilespmem:s21], [sflag:$0x1], $0x80, $0x38;
	[tilespmem:$0xC000] =	vst v63  }
0x214: {  	s30 =	sadd.s32 $0x450, s17;
	s31 =	sadd.s32 $0x2000, s20  }
0x215: {  	[hbm4b:s30+s2] =	stream.linear.scatter [tilespmem:s31], [sflag:$0x1], $0x80, $0x38;
	[tilespmem:$0xC000] =	vst v63  }
0x216: {  	s25 =	sadd.s32 $0x2400, s20;
	s26 =	sadd.s32 $0x4D0, s17  }
0x217: {  	[hbm4b:s26+s2] =	stream.linear.scatter [tilespmem:s25], [sflag:$0x1], $0x80, $0x38;
	[tilespmem:$0xC000] =	vst v63  }
0x218: {  	s28 =	sadd.s32 $0x2800, s20;
	s29 =	sadd.s32 $0x550, s17  }
0x219: {  	[hbm4b:s29+s2] =	stream.linear.scatter [tilespmem:s28], [sflag:$0x1], $0x80, $0x38;
	[tilespmem:$0xC000] =	vst v63  }
0x21a: {  	s30 =	sadd.s32 $0x2C00, s20;
	s31 =	sadd.s32 $0x5D0, s17  }
0x21b: {  	[hbm4b:s31+s2] =	stream.linear.scatter [tilespmem:s30], [sflag:$0x1], $0x80, $0x38;
	[tilespmem:$0xC000] =	vst v63  }
0x21c: {  	s25 =	sadd.s32 $0x3000, s20;
	s26 =	sadd.s32 $0x650, s17  }
0x21d: {  	[hbm4b:s26+s2] =	stream.linear.scatter [tilespmem:s25], [sflag:$0x1], $0x80, $0x38;
	[tilespmem:$0xC000] =	vst v63  }
0x21e: {  	s28 =	sadd.s32 $0x3400, s20;
	s29 =	sadd.s32 $0x6D0, s17  }
0x21f: {  	[hbm4b:s29+s2] =	stream.linear.scatter [tilespmem:s28], [sflag:$0x1], $0x80, $0x38;
	[tilespmem:$0xC000] =	vst v63  }
0x220: {  	s30 =	sadd.s32 $0x3800, s20;
	s31 =	sadd.s32 $0x750, s17  }
0x221: {  	[hbm4b:s31+s2] =	stream.linear.scatter [tilespmem:s30], [sflag:$0x1], $0x80, $0x38;
	[tilespmem:$0xC000] =	vst v63  }
0x222: {  	s22 =	sadd.s32 $0x7D0, s17;
	s20 =	sadd.s32 $0x3C00, s20  }
0x223: {  	[hbm4b:s22+s2] =	stream.linear.scatter [tilespmem:s20], [sflag:$0x1], $0x80, $0x38;
	[tilespmem:$0xC000] =	vst v63  }
0x224: {  	s25 =	sadd.s32 $0x460, s17;
	s26 =	sadd.s32 $0x2000, s19  }
0x225: {  	[hbm4b:s25+s2] =	stream.linear.scatter [tilespmem:s26], [sflag:$0x1], $0x80, $0x38;
	[tilespmem:$0xC000] =	vst v63  }
0x226: {  	s28 =	sadd.s32 $0x2400, s19;
	s29 =	sadd.s32 $0x4E0, s17  }
0x227: {  	[hbm4b:s29+s2] =	stream.linear.scatter [tilespmem:s28], [sflag:$0x1], $0x80, $0x38;
	[tilespmem:$0xC000] =	vst v63  }
0x228: {  	s30 =	sadd.s32 $0x2800, s19;
	s31 =	sadd.s32 $0x560, s17  }
0x229: {  	[hbm4b:s31+s2] =	stream.linear.scatter [tilespmem:s30], [sflag:$0x1], $0x80, $0x38;
	[tilespmem:$0xC000] =	vst v63  }
0x22a: {  	s24 =	sadd.s32 $0x5E0, s17;
	s21 =	sadd.s32 $0x2C00, s19  }
0x22b: {  	[hbm4b:s24+s2] =	stream.linear.scatter [tilespmem:s21], [sflag:$0x1], $0x80, $0x38;
	[tilespmem:$0xC000] =	vst v63  }
0x22c: {  	s25 =	sadd.s32 $0x3000, s19;
	s26 =	sadd.s32 $0x660, s17  }
0x22d: {  	[hbm4b:s26+s2] =	stream.linear.scatter [tilespmem:s25], [sflag:$0x1], $0x80, $0x38;
	[tilespmem:$0xC000] =	vst v63  }
0x22e: {  	s28 =	sadd.s32 $0x3400, s19;
	s29 =	sadd.s32 $0x6E0, s17  }
0x22f: {  	[hbm4b:s29+s2] =	stream.linear.scatter [tilespmem:s28], [sflag:$0x1], $0x80, $0x38;
	[tilespmem:$0xC000] =	vst v63  }
0x230: {  	s30 =	sadd.s32 $0x3800, s19;
	s31 =	sadd.s32 $0x760, s17  }
0x231: {  	[hbm4b:s31+s2] =	stream.linear.scatter [tilespmem:s30], [sflag:$0x1], $0x80, $0x38;
	[tilespmem:$0xC000] =	vst v63  }
0x232: {  	s19 =	sadd.s32 $0x3C00, s19;
	s24 =	sadd.s32 $0x7E0, s17  }
0x233: {  	[hbm4b:s24+s2] =	stream.linear.scatter [tilespmem:s19], [sflag:$0x1], $0x80, $0x38;
	[tilespmem:$0xC000] =	vst v63  }
0x234: {  	s25 =	sadd.s32 $0x470, s17;
	s26 =	sadd.s32 $0x2000, s18  }
0x235: {  	[hbm4b:s25+s2] =	stream.linear.scatter [tilespmem:s26], [sflag:$0x1], $0x80, $0x38;
	[tilespmem:$0xC000] =	vst v63  }
0x236: {  	s28 =	sadd.s32 $0x2400, s18;
	s29 =	sadd.s32 $0x4F0, s17  }
0x237: {  	[hbm4b:s29+s2] =	stream.linear.scatter [tilespmem:s28], [sflag:$0x1], $0x80, $0x38;
	[tilespmem:$0xC000] =	vst v63  }
0x238: {  	s14 =	sadd.s32 $0x1, s14;
	s30 =	sadd.s32 $0x2800, s18;
	s31 =	sadd.s32 $0x570, s17  }
0x239: {  	[hbm4b:s31+s2] =	stream.linear.scatter [tilespmem:s30], [sflag:$0x1], $0x80, $0x38;
	[tilespmem:$0xC000] =	vst v63  }
0x23a: {  	s15 =	sadd.s32 $0x800, s15;
	s23 =	sadd.s32 $0x2C00, s18;
	s24 =	sadd.s32 $0x5F0, s17  }
0x23b: {  	[hbm4b:s24+s2] =	stream.linear.scatter [tilespmem:s23], [sflag:$0x1], $0x80, $0x38;
	[tilespmem:$0xC000] =	vst v63  }
0x23c: {  	p0 =	sne.s32 s15, $0x40000;
	s25 =	sadd.s32 $0x3000, s18;
	s26 =	sadd.s32 $0x670, s17  }
0x23d: {  	[hbm4b:s26+s2] =	stream.linear.scatter [tilespmem:s25], [sflag:$0x1], $0x80, $0x38;
	[tilespmem:$0xC000] =	vst v63  }
.Ltmp1:
0x23e: {  	p1 =	slt.u32 s14, $0x4;
	s16 =	sadd.s32 $0x10, s16;
	(pc) =	sbr.rel @p0 .LBB2_4-.Ltmp1, $4  }
0x23f: {  	s28 =	sadd.s32 $0x3400, s18;
	s29 =	sadd.s32 $0x6F0, s17;
	s30 =	sadd.s32 $0x3800, s18  }
0x240: {  	[hbm4b:s29+s2] =	stream.linear.scatter [tilespmem:s28], [sflag:$0x1], $0x80, $0x38;
	[tilespmem:$0xC000] =	vst v63  }
0x241: {  	s31 =	sadd.s32 $0x770, s17;
	s18 =	sadd.s32 $0x3C00, s18;
	s17 =	sadd.s32 $0x7F0, s17  }
0x242: {  	[hbm4b:s31+s2] =	stream.linear.scatter [tilespmem:s30], [sflag:$0x1], $0x80, $0x38;
	[tilespmem:$0xC000] =	vst v63  }
0x243: {  	s14 =	simm.s32 @!p1 $0x1  }
0x244: {  	[hbm4b:s17+s2] =	stream.linear.scatter [tilespmem:s18], [sflag:$0x1], $0x80, $0x38;
	[tilespmem:$0xC000] =	vst v63  }
0x245: {  	_ =	swait.ge @!p1 [sflag:s14], $0x800  }
0x246: {  	[sflag:s14] =	ssyncset.done @!p1 $0x0  }
0x247: {  	[sflag:s14] =	ssyncadd.s32 @!p1 $0xFFFFF800  }
0x248: {  	_ =	swait.ge [sflag:s12], $0x800  }
0x249: {  	[sflag:s12] =	ssyncset.done $0x0  }
0x24a: {  	[sflag:s12] =	ssyncadd.s32 $0xFFFFF800  }
0x24b: {  	_ =	swait.ge [sflag:s12], $0x800  }
0x24c: {  	[sflag:s12] =	ssyncset.done $0x0  }
0x24d: {  	s13 =	sadd.s32 $0x1, s13;
	[sflag:s12] =	ssyncadd.s32 $0xFFFFF800  }
0x24e: {  	p0 =	sne.s32 s13, s7;
	_ =	swait.ge [sflag:s12], $0x800  }
.Ltmp2:
0x24f: {  	[sflag:s12] =	ssyncset.done $0x0;
	(pc) =	sbr.rel @p0 .LBB2_1-.Ltmp2, $4  }
0x250: {  	[sflag:s12] =	ssyncadd.s32 $0xFFFFF800  }
0x251: {  	_ =	swait.ge [sflag:s12], $0x800  }
0x252: {  	[sflag:s12] =	ssyncset.done $0x0  }
0x253: {  	[sflag:s12] =	ssyncadd.s32 $0xFFFFF800  }
0x254: {  	_ =	sfence.sel $0x180000  }
0x255: {  	[bflag:$0x0] =	sbarrier.arrive $0xFFFF  }
0x256: {  	p0 =	sne.s32 s1, $0x0;
	_ =	strace $0x90000047  }
0x257: {  	s0 =	sadd.s32 @!p0 $0x100000, s0;
	[bflag:$0x2] =	sbarrier.arrive $0xFFFF  }
0x258: {  	[sflag:s0] =	ssyncadd.tile.s32 @!p0 $0x1;
	_ =	shalt  }
.Lfunc_end2:
_tile_overlayer_lowered:
.L_overlay_start_2:
0x259: {  	(tag) =	ssettag $0x2  }
0x25a: {  	s0 =	rddreg [dreg:$0x0];
	s2 =	stileid.u32  }
0x25b: {  	s1 =	rddreg [dreg:$0x1];
	p0 =	sne.s32 s2, $0x0  }
0x25c: {  	s3 =	rddreg [dreg:$0x2];
	[bflag:$0x3] =	sbarrier.arrive $0xFFFF;
	s2 =	simm.s32 @!p0 $0x1C02  }
0x25d: {  	[timem:s3], [sflag:s2] =	dma.local @!p0 [hbm:s0], s1  }
0x25e: {  	s0 =	simm.s32 @!p0 $0x2  }
0x25f: {  	_ =	swait.ge @!p0 [sflag:s0], s1  }
0x260: {  	s1 =	ssub.s32 @!p0 $0x0, s1;
	[sflag:s0] =	ssyncset.done @!p0 $0x0  }
0x261: {  	[sflag:s0] =	ssyncadd.s32 @!p0 s1  }
0x262: {  	[bflag:$0x3] =	sbarrier.arrive $0xFFFF  }
0x263: {  	_ =	shalt  }

</sc_bundles>
